<compile_context>
chip_gen: v7x
topology: tpu7x:2x2x1
jax: 0.10.2.dev20260603
libtpu: 0.0.44.dev20260713+nightly
codegen_flags: <defaults>
</compile_context>

<pallas_src>
import functools

import jax
import jax.numpy as jnp
from jax.experimental import pallas as pl
from jax.experimental.pallas import tpu as pltpu
from jax.experimental.pallas import tpu_sc as plsc

_H = 512
_W = 512
_BAND = 16
_CB = 512
_K = 16
_T = 21.0
_DUP_B = 3

_NB = _H // _BAND
_NC = _W // _CB
_NT = _NB * _NC
_N = 2048
_NE = _N * _DUP_B * (1 if _NC == 1 else 2)
_NSLOT = _NE + _NT * _K
_NROWS = _NSLOT + 8


def _raster_kernel(starts_ref, ncks_ref, counts_ref, params_ref, out_ref):
    b = pl.program_id(0)
    cb = pl.program_id(1)
    t = b * _NC + cb
    start = starts_ref[t]
    nck = ncks_ref[t]
    count = counts_ref[t]
    xs = (jax.lax.broadcasted_iota(jnp.int32, (1, _CB), 1)
          + cb * _CB).astype(jnp.float32) + 0.5
    y0 = (b * _BAND).astype(jnp.float32)
    kio = jax.lax.broadcasted_iota(jnp.int32, (_K, 1), 0)
    out_ref[...] = jnp.zeros_like(out_ref)

    def body(i, carry):
        off = start + i * _K
        p = params_ref[pl.ds(off, _K), :]
        inb = (kio + i * _K) < (count - 0)
        cx = p[:, 0:1]
        cy = p[:, 1:2]
        c0 = p[:, 2:3]
        c1 = p[:, 3:4]
        c2 = p[:, 4:5]
        w = jnp.where(inb, p[:, 5:8], 0.0)
        dx = xs - cx
        a = (0.5 * c0) * dx * dx
        c1dx = c1 * dx
        for y in range(_BAND):
            dy = (y0 + (y + 0.5)) - cy
            sig = a + (0.5 * c2) * (dy * dy) + dy * c1dx
            alpha = jnp.where(inb, jnp.exp(-sig), 0.0)
            contrib = jax.lax.dot_general(
                w, alpha, (((0,), (0,)), ((), ())),
                preferred_element_type=jnp.float32)
            out_ref[y, :, :] += contrib
        return carry

    jax.lax.fori_loop(0, nck, body, 0)


def _sc_bin(pos, gid, p):
    info = plsc.get_sparse_core_info()
    nw = info.num_cores * info.num_subcores
    bpw = _NE // nw

    mesh = plsc.VectorSubcoreMesh(core_axis_name="c", subcore_axis_name="s")

    @functools.partial(
        pl.kernel, mesh=mesh,
        out_type=jax.ShapeDtypeStruct((_NROWS, 128), jnp.float32),
        scratch_types=[
            pltpu.VMEM((bpw,), jnp.int32),
            pltpu.VMEM((bpw,), jnp.int32),
            pltpu.VMEM((bpw, 128), jnp.float32),
            pltpu.SemaphoreType.DMA,
        ],
    )
    def k(pos_hbm, gid_hbm, p_hbm, out_hbm, pos_v, idx_v, rows_v, sem):
        wid = jax.lax.axis_index("s") * info.num_cores + jax.lax.axis_index("c")
        base = wid * bpw
        pltpu.sync_copy(gid_hbm.at[pl.ds(base, bpw)], idx_v)
        pltpu.sync_copy(pos_hbm.at[pl.ds(base, bpw)], pos_v)
        pltpu.async_copy(p_hbm.at[idx_v], rows_v, sem).wait()
        pltpu.async_copy(rows_v, out_hbm.at[pos_v], sem).wait()

    return k(pos, gid, p)


def kernel(embed):
    e = embed.reshape(-1, 9).astype(jnp.float32)
    n = e.shape[0]
    xy = jnp.tanh(e[:, :2])
    cx = 0.5 * _W * (xy[:, 0] + 1.0)
    cy = 0.5 * _H * (xy[:, 1] + 1.0)
    l0 = e[:, 5] + 0.5
    l1 = e[:, 6]
    l2 = e[:, 7] + 0.5
    cov00 = l0 * l0
    cov01 = l0 * l1
    cov11 = l1 * l1 + l2 * l2
    det = cov00 * cov11 - cov01 * cov01
    conic0 = cov11 / det
    conic1 = -cov01 / det
    conic2 = cov00 / det
    w = e[:, 2:5] * jax.nn.sigmoid(e[:, 8:9])

    half_tr = 0.5 * (cov00 + cov11)
    lmax = half_tr + jnp.sqrt((0.5 * (cov00 - cov11)) ** 2 + cov01 * cov01)
    r = jnp.sqrt(2.0 * _T * lmax)

    P = jnp.concatenate(
        [jnp.stack([cx, cy, conic0, conic1, conic2], axis=1), w], axis=1)

    blo = jnp.ceil((cy - r - (_BAND - 0.5)) / _BAND).astype(jnp.int32)
    bhi = jnp.floor((cy + r - 0.5) / _BAND).astype(jnp.int32)
    bb = blo[:, None] + jnp.arange(_DUP_B, dtype=jnp.int32)[None, :]
    valid = (bb <= bhi[:, None]) & (bb >= 0) & (bb < _NB)
    tid = bb.reshape(-1)
    valid = valid.reshape(-1)
    gid = jnp.broadcast_to(
        jnp.arange(n, dtype=jnp.int32)[:, None], (n, _DUP_B)).reshape(-1)

    onehot = ((tid[:, None] == jnp.arange(_NT, dtype=jnp.int32)[None, :])
              & valid[:, None]).astype(jnp.float32)
    incl = jnp.cumsum(onehot, axis=0)
    rank = jnp.sum(incl * onehot, axis=1) - 1.0
    counts = incl[-1].astype(jnp.int32)
    ncks = (counts + _K - 1) // _K
    poff = _K * jnp.concatenate(
        [jnp.zeros((1,), jnp.int32), jnp.cumsum(ncks)])[:_NT]
    tclip = jnp.clip(tid, 0, _NT - 1)
    pos = poff[tclip] + rank.astype(jnp.int32)
    pos = jnp.where(valid, pos, _NSLOT)

    P128 = jnp.pad(P, ((0, 0), (0, 120)))
    E2 = _sc_bin(pos, gid, P128)

    grid_spec = pltpu.PrefetchScalarGridSpec(
        num_scalar_prefetch=3,
        grid=(_NB, _NC),
        in_specs=[pl.BlockSpec((_NROWS, 128), lambda b, c, *_: (0, 0))],
        out_specs=pl.BlockSpec((_BAND, 3, _CB), lambda b, c, *_: (b, 0, c)),
    )
    out = pl.pallas_call(
        _raster_kernel,
        grid_spec=grid_spec,
        out_shape=jax.ShapeDtypeStruct((_H, 3, _W), jnp.float32),
    )(poff, ncks, counts, E2)
    return jnp.transpose(out, (1, 0, 2))[None]

# --- scband reference (transcript-rebuilt; emitter-appended) ---
"""Pipeline reference for scband-gaussian-image-34789235097895 (READ-ONLY COPY).

The authoritative reference and input builder live on the scoring server;
editing this copy changes nothing except your own understanding.
"""

import jax, jax.numpy as jnp
import numpy as np

N_POINTS = 2048
H = 512
W = 512


def _render(embed):
    embed = embed.reshape(-1, 9)
    n = embed.shape[0]
    # parameter unpacking (matches module forward: xyz->tanh, cholesky+bound, sigmoid uncertainty)
    xyz = jnp.tanh(embed[:, :2])
    feat = embed[:, 2:5]
    chol = embed[:, 5:8] + jnp.array([0.5, 0.0, 0.5], dtype=embed.dtype)
    unc = jax.nn.sigmoid(embed[:, 8:9])
    colors = feat * unc
    opacity = jnp.ones((n, 1), dtype=embed.dtype)  # _opacity buffer
    # project_gaussians_2d: NDC -> pixel centers, cholesky -> covariance -> conic
    cx = 0.5 * W * (xyz[:, 0] + 1.0)
    cy = 0.5 * H * (xyz[:, 1] + 1.0)
    l0, l1, l2 = chol[:, 0], chol[:, 1], chol[:, 2]
    cov00 = l0 * l0
    cov01 = l0 * l1
    cov11 = l1 * l1 + l2 * l2
    det = cov00 * cov11 - cov01 * cov01  # = (l0*l2)^2 > 0
    conic0 = cov11 / det
    conic1 = -cov01 / det
    conic2 = cov00 / det
    wcol = colors * opacity  # [N,3]
    xs = jnp.arange(W, dtype=embed.dtype) + 0.5

    @jax.checkpoint
    def row_fn(y):
        dx = xs[None, :] - cx[:, None]            # [N, W]
        dy = (y + 0.5) - cy                        # [N]
        sigma = 0.5 * (conic0[:, None] * dx * dx + (conic2 * dy * dy)[:, None]) + (conic1 * dy)[:, None] * dx
        alpha = jnp.exp(-sigma)                    # [N, W], sigma >= 0 since conic PSD
        return alpha.T @ wcol                      # [W, 3]

    rows = jax.lax.map(row_fn, jnp.arange(H, dtype=embed.dtype))  # [H, W, 3]
    out = rows[None]                                               # [1, H, W, 3]
    return jnp.transpose(out, (0, 3, 1, 2))                        # [1, 3, H, W]


def setup_inputs(seed: int = 0):
    key = jax.random.key(seed)
    embed = jax.random.uniform(key, (N_POINTS, 9), dtype=jnp.float32)
    return {"embed": embed}


def reference(embed):
    return _render(embed)

if __name__ == "__main__":
    import jax
    _d = setup_inputs()
    print(jax.jit(kernel)(*tuple(_d.values())))

</pallas_src>

<mosaic_0001>
#map = affine_map<(d0, d1) -> (0)>
#map1 = affine_map<(d0, d1) -> (0, 0)>
module attributes {stable_mosaic.version = 14 : i64} {
  func.func @k(%arg0: i32, %arg1: i32, %arg2: memref<6144xi32, #tpu.memory_space<hbm>>, %arg3: memref<6144xi32, #tpu.memory_space<hbm>>, %arg4: memref<2048x128xf32, #tpu.memory_space<hbm>>, %arg5: memref<6664x128xf32, #tpu.memory_space<hbm>>, %arg6: memref<192xi32, #tpu.memory_space<vmem>>, %arg7: memref<192xi32, #tpu.memory_space<vmem>>, %arg8: memref<192x128xf32, #tpu.memory_space<vmem>>, %arg9: memref<!tpu.dma_semaphore, #tpu.memory_space<semaphore_mem>>) attributes {dimension_semantics = [#tpu.dimension_semantics<core_parallel>, #tpu.dimension_semantics<subcore_parallel>], iteration_bounds = array<i64: 2, 16>, scalar_prefetch = 0 : i64, scratch_operands = 4 : i64, tpu.core_type = #tpu.core_type<sc_vector_subcore>, window_params = [{transform_indices = #map}, {transform_indices = #map}, {transform_indices = #map1}, {transform_indices = #map1}]} {
    %mul3A = arith.constant 2 : i32
    %mul3A_0 = arith.muli %arg1, %mul3A : i32
    %add3A = arith.addi %mul3A_0, %arg0 : i32
    %mul3A_1 = arith.constant 192 : i32
    %mul3A_2 = arith.muli %add3A, %mul3A_1 : i32
    "tpu.region"() ({
      %run_scoped3A = tpu.sem_alloc : memref<!tpu.dma_semaphore, #tpu.memory_space<semaphore_mem>>
      %dma_start3A_13 = tpu.memref_slice %arg3[%mul3A_2] : memref<6144xi32, #tpu.memory_space<hbm>> -> memref<192xi32, #tpu.memory_space<hbm>>
      %dma_start3A_14 = tpu.memref_slice %arg3[%mul3A_2] : memref<6144xi32, #tpu.memory_space<hbm>> -> memref<192xi32, #tpu.memory_space<hbm>>
      tpu.enqueue_dma source(%dma_start3A_14 : memref<192xi32, #tpu.memory_space<hbm>>) target(%arg7 : memref<192xi32, #tpu.memory_space<vmem>>) target_semaphore(%run_scoped3A : memref<!tpu.dma_semaphore, #tpu.memory_space<semaphore_mem>>)
      %dma_wait3A_15 = tpu.memref_slice %arg3[%mul3A_2] : memref<6144xi32, #tpu.memory_space<hbm>> -> memref<192xi32, #tpu.memory_space<hbm>>
      %dma_wait3A_16 = tpu.memref_slice %arg3[%mul3A_2] : memref<6144xi32, #tpu.memory_space<hbm>> -> memref<192xi32, #tpu.memory_space<hbm>>
      tpu.wait_dma2 semaphore(%run_scoped3A : memref<!tpu.dma_semaphore, #tpu.memory_space<semaphore_mem>>) src(%dma_wait3A_16 : memref<192xi32, #tpu.memory_space<hbm>>) dst(%arg7 : memref<192xi32, #tpu.memory_space<vmem>>)
      tpu.yield
    }) : () -> ()
    "tpu.region"() ({
      %run_scoped3A = tpu.sem_alloc : memref<!tpu.dma_semaphore, #tpu.memory_space<semaphore_mem>>
      %dma_start3A_13 = tpu.memref_slice %arg2[%mul3A_2] : memref<6144xi32, #tpu.memory_space<hbm>> -> memref<192xi32, #tpu.memory_space<hbm>>
      %dma_start3A_14 = tpu.memref_slice %arg2[%mul3A_2] : memref<6144xi32, #tpu.memory_space<hbm>> -> memref<192xi32, #tpu.memory_space<hbm>>
      tpu.enqueue_dma source(%dma_start3A_14 : memref<192xi32, #tpu.memory_space<hbm>>) target(%arg6 : memref<192xi32, #tpu.memory_space<vmem>>) target_semaphore(%run_scoped3A : memref<!tpu.dma_semaphore, #tpu.memory_space<semaphore_mem>>)
      %dma_wait3A_15 = tpu.memref_slice %arg2[%mul3A_2] : memref<6144xi32, #tpu.memory_space<hbm>> -> memref<192xi32, #tpu.memory_space<hbm>>
      %dma_wait3A_16 = tpu.memref_slice %arg2[%mul3A_2] : memref<6144xi32, #tpu.memory_space<hbm>> -> memref<192xi32, #tpu.memory_space<hbm>>
      tpu.wait_dma2 semaphore(%run_scoped3A : memref<!tpu.dma_semaphore, #tpu.memory_space<semaphore_mem>>) src(%dma_wait3A_16 : memref<192xi32, #tpu.memory_space<hbm>>) dst(%arg6 : memref<192xi32, #tpu.memory_space<vmem>>)
      tpu.yield
    }) : () -> ()
    %dma_start3A = arith.constant 0 : i32
    %dma_start3A_3 = arith.constant 0 : i32
    %dma_start3A_4 = tpu.memref_slice %arg4[%dma_start3A, %dma_start3A_3] : memref<2048x128xf32, #tpu.memory_space<hbm>> -> memref<2048x128xf32, #tpu.memory_space<hbm>>
    tpu.enqueue_indirect_dma source(%dma_start3A_4 : memref<2048x128xf32, #tpu.memory_space<hbm>>) target(%arg8 : memref<192x128xf32, #tpu.memory_space<vmem>>) offsets(%arg7 : memref<192xi32, #tpu.memory_space<vmem>>) semaphore(%arg9 : memref<!tpu.dma_semaphore, #tpu.memory_space<semaphore_mem>>)
    %dma_wait3A = arith.constant 0 : i32
    %dma_wait3A_5 = arith.constant 0 : i32
    %dma_wait3A_6 = tpu.memref_slice %arg4[%dma_wait3A, %dma_wait3A_5] : memref<2048x128xf32, #tpu.memory_space<hbm>> -> memref<2048x128xf32, #tpu.memory_space<hbm>>
    tpu.wait_indirect_dma semaphore(%arg9 : memref<!tpu.dma_semaphore, #tpu.memory_space<semaphore_mem>>) src(%dma_wait3A_6 : memref<2048x128xf32, #tpu.memory_space<hbm>>) dst(%arg8 : memref<192x128xf32, #tpu.memory_space<vmem>>)
    %dma_start3A_7 = arith.constant 0 : i32
    %dma_start3A_8 = arith.constant 0 : i32
    %dma_start3A_9 = tpu.memref_slice %arg5[%dma_start3A_7, %dma_start3A_8] : memref<6664x128xf32, #tpu.memory_space<hbm>> -> memref<6664x128xf32, #tpu.memory_space<hbm>>
    tpu.enqueue_indirect_dma source(%arg8 : memref<192x128xf32, #tpu.memory_space<vmem>>) target(%dma_start3A_9 : memref<6664x128xf32, #tpu.memory_space<hbm>>) offsets(%arg6 : memref<192xi32, #tpu.memory_space<vmem>>) semaphore(%arg9 : memref<!tpu.dma_semaphore, #tpu.memory_space<semaphore_mem>>)
    %dma_wait3A_10 = arith.constant 0 : i32
    %dma_wait3A_11 = arith.constant 0 : i32
    %dma_wait3A_12 = tpu.memref_slice %arg5[%dma_wait3A_10, %dma_wait3A_11] : memref<6664x128xf32, #tpu.memory_space<hbm>> -> memref<6664x128xf32, #tpu.memory_space<hbm>>
    tpu.wait_indirect_dma semaphore(%arg9 : memref<!tpu.dma_semaphore, #tpu.memory_space<semaphore_mem>>) src(%arg8 : memref<192x128xf32, #tpu.memory_space<vmem>>) dst(%dma_wait3A_12 : memref<6664x128xf32, #tpu.memory_space<hbm>>)
    return
  }
}

module attributes {stable_mosaic.version = 14 : i64} {
  func.func @_raster_kernel(%arg0: i32, %arg1: i32, %arg2: memref<32xi32, #tpu.memory_space<smem>>, %arg3: memref<32xi32, #tpu.memory_space<smem>>, %arg4: memref<32xi32, #tpu.memory_space<smem>>, %arg5: memref<6664x128xf32, #tpu.memory_space<vmem>>, %arg6: memref<16x3x512xf32, #tpu.memory_space<vmem>>) attributes {dimension_semantics = [#tpu.dimension_semantics<arbitrary>, #tpu.dimension_semantics<arbitrary>], iteration_bounds = array<i64: 32, 1>, scalar_prefetch = 3 : i64, scratch_operands = 0 : i64, tpu.core_type = #tpu.core_type<tc>, window_params = [{pipeline_mode = #tpu.pipeline_mode<synchronous>, transform_indices = @transform_0, window_bounds = array<i64: 6664, 128>}, {transform_indices = @transform_1, window_bounds = array<i64: 16, 3, 512>}]} {
    %mul3A = arith.constant 1 : i32
    %mul3A_0 = arith.muli %arg0, %mul3A : i32
    %add3A = arith.addi %mul3A_0, %arg1 : i32
    %get3A = arith.index_cast %add3A : i32 to index
    %get3A_1 = memref.load %arg2[%get3A] : memref<32xi32, #tpu.memory_space<smem>>
    %get3A_2 = arith.index_cast %add3A : i32 to index
    %get3A_3 = memref.load %arg3[%get3A_2] : memref<32xi32, #tpu.memory_space<smem>>
    %get3A_4 = arith.index_cast %add3A : i32 to index
    %get3A_5 = memref.load %arg4[%get3A_4] : memref<32xi32, #tpu.memory_space<smem>>
    %iota3A = tpu.iota {dimensions = array<i32: 1>} : vector<1x512xi32>
    %mul3A_6 = arith.constant 512 : i32
    %mul3A_7 = arith.muli %arg1, %mul3A_6 : i32
    %add3A_8 = vector.broadcast %mul3A_7 : i32 to vector<1x512xi32>
    %add3A_9 = arith.addi %iota3A, %add3A_8 : vector<1x512xi32>
    %convert_element_type3A = arith.sitofp %add3A_9 : vector<1x512xi32> to vector<1x512xf32>
    %add3A_10 = arith.constant 5.000000e-01 : f32
    %add3A_11 = vector.broadcast %add3A_10 : f32 to vector<1x512xf32>
    %add3A_12 = arith.addf %convert_element_type3A, %add3A_11 : vector<1x512xf32>
    %mul3A_13 = arith.constant 16 : i32
    %mul3A_14 = arith.muli %arg0, %mul3A_13 : i32
    %convert_element_type3A_15 = arith.sitofp %mul3A_14 : i32 to f32
    %iota3A_16 = tpu.iota {dimensions = array<i32: 0>} : vector<16x1xi32>
    %broadcast_in_dim3A = arith.constant 0.000000e+00 : f32
    %broadcast_in_dim3A_17 = vector.broadcast %broadcast_in_dim3A : f32 to vector<16x3x512xf32>
    %swap3A = arith.constant 0 : index
    %swap3A_18 = arith.constant 0 : index
    %swap3A_19 = arith.constant 0 : index
    %swap3A_20 = vector.load %arg6[%swap3A, %swap3A_18, %swap3A_19] : memref<16x3x512xf32, #tpu.memory_space<vmem>>, vector<16x3x512xf32>
    tpu.vector_store %arg6[%swap3A, %swap3A_18, %swap3A_19], %broadcast_in_dim3A_17 {strides = array<i32>} : memref<16x3x512xf32, #tpu.memory_space<vmem>>, vector<16x3x512xf32>,
    %while3A = arith.constant 0 : i32
    %while3A_21 = arith.constant 0 : i32
    %while3A_22 = arith.subi %get3A_3, %while3A_21 : i32
    %while3A_23 = arith.addi %while3A_21, %while3A_22 : i32
    %while3A_24 = arith.constant 1 : i32
    %while3A_25 = arith.divsi %while3A_22, %while3A_24 : i32
    %while3A_26 = arith.muli %while3A_25, %while3A_24 : i32
    %while3A_27 = arith.addi %while3A_21, %while3A_26 : i32
    %while3A_28 = arith.constant 1 : i32
    scf.for %while3A_30 = %while3A_21 to %while3A_27 step %while3A_28  : i32 {
      %mul3A_31 = arith.constant 16 : i32
      %mul3A_32 = arith.muli %while3A_30, %mul3A_31 : i32
      %add3A_33 = arith.addi %get3A_1, %mul3A_32 : i32
      %get3A_34 = arith.index_cast %add3A_33 : i32 to index
      %get3A_35 = arith.constant 0 : index
      %get3A_36 = vector.load %arg5[%get3A_34, %get3A_35] : memref<6664x128xf32, #tpu.memory_space<vmem>>, vector<16x128xf32>
      %mul3A_37 = arith.constant 16 : i32
      %mul3A_38 = arith.muli %while3A_30, %mul3A_37 : i32
      %add3A_39 = vector.broadcast %mul3A_38 : i32 to vector<16x1xi32>
      %add3A_40 = arith.addi %iota3A_16, %add3A_39 : vector<16x1xi32>
      %sub3A = arith.constant 0 : i32
      %sub3A_41 = arith.subi %get3A_5, %sub3A : i32
      %lt3A = vector.broadcast %sub3A_41 : i32 to vector<16x1xi32>
      %lt3A_42 = arith.cmpi slt, %add3A_40, %lt3A : vector<16x1xi32>
      %slice3A = vector.extract_strided_slice %get3A_36 {offsets = [0, 0], sizes = [16, 1], strides = [1, 1]} : vector<16x128xf32> to vector<16x1xf32>
      %slice3A_43 = vector.extract_strided_slice %get3A_36 {offsets = [0, 1], sizes = [16, 1], strides = [1, 1]} : vector<16x128xf32> to vector<16x1xf32>
      %slice3A_44 = vector.extract_strided_slice %get3A_36 {offsets = [0, 2], sizes = [16, 1], strides = [1, 1]} : vector<16x128xf32> to vector<16x1xf32>
      %slice3A_45 = vector.extract_strided_slice %get3A_36 {offsets = [0, 3], sizes = [16, 1], strides = [1, 1]} : vector<16x128xf32> to vector<16x1xf32>
      %slice3A_46 = vector.extract_strided_slice %get3A_36 {offsets = [0, 4], sizes = [16, 1], strides = [1, 1]} : vector<16x128xf32> to vector<16x1xf32>
      %slice3A_47 = vector.extract_strided_slice %get3A_36 {offsets = [0, 5], sizes = [16, 3], strides = [1, 1]} : vector<16x128xf32> to vector<16x3xf32>
      %jit3A = arith.constant 0.000000e+00 : f32
      %broadcast_in_dim3A_48 = vector.shape_cast %lt3A_42 : vector<16x1xi1> to vector<16x1xi1>
      %broadcast_in_dim3A_49 = vector.broadcast %broadcast_in_dim3A_48 : vector<16x1xi1> to vector<16x3xi1>
      %broadcast_in_dim3A_50 = vector.broadcast %jit3A : f32 to vector<16x3xf32>
      %select_n3A = arith.select %broadcast_in_dim3A_49, %slice3A_47, %broadcast_in_dim3A_50 : vector<16x3xi1>, vector<16x3xf32>
      %sub3A_51 = vector.broadcast %add3A_12 : vector<1x512xf32> to vector<16x512xf32>
      %sub3A_52 = vector.broadcast %slice3A : vector<16x1xf32> to vector<16x512xf32>
      %sub3A_53 = arith.subf %sub3A_51, %sub3A_52 : vector<16x512xf32>
      %mul3A_54 = arith.constant 5.000000e-01 : f32
      %mul3A_55 = vector.broadcast %mul3A_54 : f32 to vector<16x1xf32>
      %mul3A_56 = arith.mulf %mul3A_55, %slice3A_44 : vector<16x1xf32>
      %mul3A_57 = vector.broadcast %mul3A_56 : vector<16x1xf32> to vector<16x512xf32>
      %mul3A_58 = arith.mulf %mul3A_57, %sub3A_53 : vector<16x512xf32>
      %mul3A_59 = arith.mulf %mul3A_58, %sub3A_53 : vector<16x512xf32>
      %mul3A_60 = vector.broadcast %slice3A_45 : vector<16x1xf32> to vector<16x512xf32>
      %mul3A_61 = arith.mulf %mul3A_60, %sub3A_53 : vector<16x512xf32>
      %add3A_62 = arith.constant 5.000000e-01 : f32
      %add3A_63 = arith.addf %convert_element_type3A_15, %add3A_62 : f32
      %sub3A_64 = vector.broadcast %add3A_63 : f32 to vector<16x1xf32>
      %sub3A_65 = arith.subf %sub3A_64, %slice3A_43 : vector<16x1xf32>
      %mul3A_66 = arith.constant 5.000000e-01 : f32
      %mul3A_67 = vector.broadcast %mul3A_66 : f32 to vector<16x1xf32>
      %mul3A_68 = arith.mulf %mul3A_67, %slice3A_46 : vector<16x1xf32>
      %mul3A_69 = arith.mulf %sub3A_65, %sub3A_65 : vector<16x1xf32>
      %mul3A_70 = arith.mulf %mul3A_68, %mul3A_69 : vector<16x1xf32>
      %add3A_71 = vector.broadcast %mul3A_70 : vector<16x1xf32> to vector<16x512xf32>
      %add3A_72 = arith.addf %mul3A_59, %add3A_71 : vector<16x512xf32>
      %mul3A_73 = vector.broadcast %sub3A_65 : vector<16x1xf32> to vector<16x512xf32>
      %mul3A_74 = arith.mulf %mul3A_73, %mul3A_61 : vector<16x512xf32>
      %add3A_75 = arith.addf %add3A_72, %mul3A_74 : vector<16x512xf32>
      %neg3A = arith.constant 0.000000e+00 : f32
      %neg3A_76 = vector.broadcast %neg3A : f32 to vector<16x512xf32>
      %neg3A_77 = arith.subf %neg3A_76, %add3A_75 : vector<16x512xf32>
      %exp3A = math.exp %neg3A_77 : vector<16x512xf32>
      %jit3A_78 = arith.constant 0.000000e+00 : f32
      %broadcast_in_dim3A_79 = vector.shape_cast %lt3A_42 : vector<16x1xi1> to vector<16x1xi1>
      %broadcast_in_dim3A_80 = vector.broadcast %broadcast_in_dim3A_79 : vector<16x1xi1> to vector<16x512xi1>
      %broadcast_in_dim3A_81 = vector.broadcast %jit3A_78 : f32 to vector<16x512xf32>
      %select_n3A_82 = arith.select %broadcast_in_dim3A_80, %exp3A, %broadcast_in_dim3A_81 : vector<16x512xi1>, vector<16x512xf32>
      %dot_general3A = arith.constant dense<0.000000e+00> : vector<3x512xf32>
      %dot_general3A_83 = tpu.matmul %select_n3A, %select_n3A_82, %dot_general3A {dimension_numbers = #tpu.dot_dimension_numbers<[0], [0], [1], [1], [0, 1, 1, 1], [], []>, transpose_lhs_hint = false} : vector<16x3xf32>, vector<16x512xf32>, vector<3x512xf32> -> vector<3x512xf32>
      %get3A_84 = arith.constant 0 : index
      %get3A_85 = arith.constant 0 : index
      %get3A_86 = arith.constant 0 : index
      %get3A_87 = vector.load %arg6[%get3A_84, %get3A_85, %get3A_86] : memref<16x3x512xf32, #tpu.memory_space<vmem>>, vector<1x3x512xf32>
      %get3A_88 = vector.shape_cast %get3A_87 : vector<1x3x512xf32> to vector<3x512xf32>
      %add3A_89 = arith.addf %get3A_88, %dot_general3A_83 : vector<3x512xf32>
      %swap3A_90 = arith.constant 0 : index
      %swap3A_91 = arith.constant 0 : index
      %swap3A_92 = arith.constant 0 : index
      %swap3A_93 = vector.load %arg6[%swap3A_90, %swap3A_91, %swap3A_92] : memref<16x3x512xf32, #tpu.memory_space<vmem>>, vector<1x3x512xf32>
      %swap3A_94 = vector.shape_cast %swap3A_93 : vector<1x3x512xf32> to vector<3x512xf32>
      %swap3A_95 = vector.shape_cast %add3A_89 : vector<3x512xf32> to vector<1x3x512xf32>
      tpu.vector_store %arg6[%swap3A_90, %swap3A_91, %swap3A_92], %swap3A_95 {strides = array<i32>} : memref<16x3x512xf32, #tpu.memory_space<vmem>>, vector<1x3x512xf32>,
      %add3A_96 = arith.constant 1.500000e+00 : f32
      %add3A_97 = arith.addf %convert_element_type3A_15, %add3A_96 : f32
      %sub3A_98 = vector.broadcast %add3A_97 : f32 to vector<16x1xf32>
      %sub3A_99 = arith.subf %sub3A_98, %slice3A_43 : vector<16x1xf32>
      %mul3A_100 = arith.constant 5.000000e-01 : f32
      %mul3A_101 = vector.broadcast %mul3A_100 : f32 to vector<16x1xf32>
      %mul3A_102 = arith.mulf %mul3A_101, %slice3A_46 : vector<16x1xf32>
      %mul3A_103 = arith.mulf %sub3A_99, %sub3A_99 : vector<16x1xf32>
      %mul3A_104 = arith.mulf %mul3A_102, %mul3A_103 : vector<16x1xf32>
      %add3A_105 = vector.broadcast %mul3A_104 : vector<16x1xf32> to vector<16x512xf32>
      %add3A_106 = arith.addf %mul3A_59, %add3A_105 : vector<16x512xf32>
      %mul3A_107 = vector.broadcast %sub3A_99 : vector<16x1xf32> to vector<16x512xf32>
      %mul3A_108 = arith.mulf %mul3A_107, %mul3A_61 : vector<16x512xf32>
      %add3A_109 = arith.addf %add3A_106, %mul3A_108 : vector<16x512xf32>
      %neg3A_110 = arith.constant 0.000000e+00 : f32
      %neg3A_111 = vector.broadcast %neg3A_110 : f32 to vector<16x512xf32>
      %neg3A_112 = arith.subf %neg3A_111, %add3A_109 : vector<16x512xf32>
      %exp3A_113 = math.exp %neg3A_112 : vector<16x512xf32>
      %jit3A_114 = arith.constant 0.000000e+00 : f32
      %broadcast_in_dim3A_115 = vector.shape_cast %lt3A_42 : vector<16x1xi1> to vector<16x1xi1>
      %broadcast_in_dim3A_116 = vector.broadcast %broadcast_in_dim3A_115 : vector<16x1xi1> to vector<16x512xi1>
      %broadcast_in_dim3A_117 = vector.broadcast %jit3A_114 : f32 to vector<16x512xf32>
      %select_n3A_118 = arith.select %broadcast_in_dim3A_116, %exp3A_113, %broadcast_in_dim3A_117 : vector<16x512xi1>, vector<16x512xf32>
      %dot_general3A_119 = arith.constant dense<0.000000e+00> : vector<3x512xf32>
      %dot_general3A_120 = tpu.matmul %select_n3A, %select_n3A_118, %dot_general3A_119 {dimension_numbers = #tpu.dot_dimension_numbers<[0], [0], [1], [1], [0, 1, 1, 1], [], []>, transpose_lhs_hint = false} : vector<16x3xf32>, vector<16x512xf32>, vector<3x512xf32> -> vector<3x512xf32>
      %get3A_121 = arith.constant 1 : index
      %get3A_122 = arith.constant 0 : index
      %get3A_123 = arith.constant 0 : index
      %get3A_124 = vector.load %arg6[%get3A_121, %get3A_122, %get3A_123] : memref<16x3x512xf32, #tpu.memory_space<vmem>>, vector<1x3x512xf32>
      %get3A_125 = vector.shape_cast %get3A_124 : vector<1x3x512xf32> to vector<3x512xf32>
      %add3A_126 = arith.addf %get3A_125, %dot_general3A_120 : vector<3x512xf32>
      %swap3A_127 = arith.constant 1 : index
      %swap3A_128 = arith.constant 0 : index
      %swap3A_129 = arith.constant 0 : index
      %swap3A_130 = vector.load %arg6[%swap3A_127, %swap3A_128, %swap3A_129] : memref<16x3x512xf32, #tpu.memory_space<vmem>>, vector<1x3x512xf32>
      %swap3A_131 = vector.shape_cast %swap3A_130 : vector<1x3x512xf32> to vector<3x512xf32>
      %swap3A_132 = vector.shape_cast %add3A_126 : vector<3x512xf32> to vector<1x3x512xf32>
      tpu.vector_store %arg6[%swap3A_127, %swap3A_128, %swap3A_129], %swap3A_132 {strides = array<i32>} : memref<16x3x512xf32, #tpu.memory_space<vmem>>, vector<1x3x512xf32>,
      %add3A_133 = arith.constant 2.500000e+00 : f32
      %add3A_134 = arith.addf %convert_element_type3A_15, %add3A_133 : f32
      %sub3A_135 = vector.broadcast %add3A_134 : f32 to vector<16x1xf32>
      %sub3A_136 = arith.subf %sub3A_135, %slice3A_43 : vector<16x1xf32>
      %mul3A_137 = arith.constant 5.000000e-01 : f32
      %mul3A_138 = vector.broadcast %mul3A_137 : f32 to vector<16x1xf32>
      %mul3A_139 = arith.mulf %mul3A_138, %slice3A_46 : vector<16x1xf32>
      %mul3A_140 = arith.mulf %sub3A_136, %sub3A_136 : vector<16x1xf32>
      %mul3A_141 = arith.mulf %mul3A_139, %mul3A_140 : vector<16x1xf32>
      %add3A_142 = vector.broadcast %mul3A_141 : vector<16x1xf32> to vector<16x512xf32>
      %add3A_143 = arith.addf %mul3A_59, %add3A_142 : vector<16x512xf32>
      %mul3A_144 = vector.broadcast %sub3A_136 : vector<16x1xf32> to vector<16x512xf32>
      %mul3A_145 = arith.mulf %mul3A_144, %mul3A_61 : vector<16x512xf32>
      %add3A_146 = arith.addf %add3A_143, %mul3A_145 : vector<16x512xf32>
      %neg3A_147 = arith.constant 0.000000e+00 : f32
      %neg3A_148 = vector.broadcast %neg3A_147 : f32 to vector<16x512xf32>
      %neg3A_149 = arith.subf %neg3A_148, %add3A_146 : vector<16x512xf32>
      %exp3A_150 = math.exp %neg3A_149 : vector<16x512xf32>
      %jit3A_151 = arith.constant 0.000000e+00 : f32
      %broadcast_in_dim3A_152 = vector.shape_cast %lt3A_42 : vector<16x1xi1> to vector<16x1xi1>
      %broadcast_in_dim3A_153 = vector.broadcast %broadcast_in_dim3A_152 : vector<16x1xi1> to vector<16x512xi1>
      %broadcast_in_dim3A_154 = vector.broadcast %jit3A_151 : f32 to vector<16x512xf32>
      %select_n3A_155 = arith.select %broadcast_in_dim3A_153, %exp3A_150, %broadcast_in_dim3A_154 : vector<16x512xi1>, vector<16x512xf32>
      %dot_general3A_156 = arith.constant dense<0.000000e+00> : vector<3x512xf32>
      %dot_general3A_157 = tpu.matmul %select_n3A, %select_n3A_155, %dot_general3A_156 {dimension_numbers = #tpu.dot_dimension_numbers<[0], [0], [1], [1], [0, 1, 1, 1], [], []>, transpose_lhs_hint = false} : vector<16x3xf32>, vector<16x512xf32>, vector<3x512xf32> -> vector<3x512xf32>
      %get3A_158 = arith.constant 2 : index
      %get3A_159 = arith.constant 0 : index
      %get3A_160 = arith.constant 0 : index
      %get3A_161 = vector.load %arg6[%get3A_158, %get3A_159, %get3A_160] : memref<16x3x512xf32, #tpu.memory_space<vmem>>, vector<1x3x512xf32>
      %get3A_162 = vector.shape_cast %get3A_161 : vector<1x3x512xf32> to vector<3x512xf32>
      %add3A_163 = arith.addf %get3A_162, %dot_general3A_157 : vector<3x512xf32>
      %swap3A_164 = arith.constant 2 : index
      %swap3A_165 = arith.constant 0 : index
      %swap3A_166 = arith.constant 0 : index
      %swap3A_167 = vector.load %arg6[%swap3A_164, %swap3A_165, %swap3A_166] : memref<16x3x512xf32, #tpu.memory_space<vmem>>, vector<1x3x512xf32>
      %swap3A_168 = vector.shape_cast %swap3A_167 : vector<1x3x512xf32> to vector<3x512xf32>
      %swap3A_169 = vector.shape_cast %add3A_163 : vector<3x512xf32> to vector<1x3x512xf32>
      tpu.vector_store %arg6[%swap3A_164, %swap3A_165, %swap3A_166], %swap3A_169 {strides = array<i32>} : memref<16x3x512xf32, #tpu.memory_space<vmem>>, vector<1x3x512xf32>,
      %add3A_170 = arith.constant 3.500000e+00 : f32
      %add3A_171 = arith.addf %convert_element_type3A_15, %add3A_170 : f32
      %sub3A_172 = vector.broadcast %add3A_171 : f32 to vector<16x1xf32>
      %sub3A_173 = arith.subf %sub3A_172, %slice3A_43 : vector<16x1xf32>
      %mul3A_174 = arith.constant 5.000000e-01 : f32
      %mul3A_175 = vector.broadcast %mul3A_174 : f32 to vector<16x1xf32>
      %mul3A_176 = arith.mulf %mul3A_175, %slice3A_46 : vector<16x1xf32>
      %mul3A_177 = arith.mulf %sub3A_173, %sub3A_173 : vector<16x1xf32>
      %mul3A_178 = arith.mulf %mul3A_176, %mul3A_177 : vector<16x1xf32>
      %add3A_179 = vector.broadcast %mul3A_178 : vector<16x1xf32> to vector<16x512xf32>
      %add3A_180 = arith.addf %mul3A_59, %add3A_179 : vector<16x512xf32>
      %mul3A_181 = vector.broadcast %sub3A_173 : vector<16x1xf32> to vector<16x512xf32>
      %mul3A_182 = arith.mulf %mul3A_181, %mul3A_61 : vector<16x512xf32>
      %add3A_183 = arith.addf %add3A_180, %mul3A_182 : vector<16x512xf32>
      %neg3A_184 = arith.constant 0.000000e+00 : f32
      %neg3A_185 = vector.broadcast %neg3A_184 : f32 to vector<16x512xf32>
      %neg3A_186 = arith.subf %neg3A_185, %add3A_183 : vector<16x512xf32>
      %exp3A_187 = math.exp %neg3A_186 : vector<16x512xf32>
      %jit3A_188 = arith.constant 0.000000e+00 : f32
      %broadcast_in_dim3A_189 = vector.shape_cast %lt3A_42 : vector<16x1xi1> to vector<16x1xi1>
      %broadcast_in_dim3A_190 = vector.broadcast %broadcast_in_dim3A_189 : vector<16x1xi1> to vector<16x512xi1>
      %broadcast_in_dim3A_191 = vector.broadcast %jit3A_188 : f32 to vector<16x512xf32>
      %select_n3A_192 = arith.select %broadcast_in_dim3A_190, %exp3A_187, %broadcast_in_dim3A_191 : vector<16x512xi1>, vector<16x512xf32>
      %dot_general3A_193 = arith.constant dense<0.000000e+00> : vector<3x512xf32>
      %dot_general3A_194 = tpu.matmul %select_n3A, %select_n3A_192, %dot_general3A_193 {dimension_numbers = #tpu.dot_dimension_numbers<[0], [0], [1], [1], [0, 1, 1, 1], [], []>, transpose_lhs_hint = false} : vector<16x3xf32>, vector<16x512xf32>, vector<3x512xf32> -> vector<3x512xf32>
      %get3A_195 = arith.constant 3 : index
      %get3A_196 = arith.constant 0 : index
      %get3A_197 = arith.constant 0 : index
      %get3A_198 = vector.load %arg6[%get3A_195, %get3A_196, %get3A_197] : memref<16x3x512xf32, #tpu.memory_space<vmem>>, vector<1x3x512xf32>
      %get3A_199 = vector.shape_cast %get3A_198 : vector<1x3x512xf32> to vector<3x512xf32>
      %add3A_200 = arith.addf %get3A_199, %dot_general3A_194 : vector<3x512xf32>
      %swap3A_201 = arith.constant 3 : index
      %swap3A_202 = arith.constant 0 : index
      %swap3A_203 = arith.constant 0 : index
      %swap3A_204 = vector.load %arg6[%swap3A_201, %swap3A_202, %swap3A_203] : memref<16x3x512xf32, #tpu.memory_space<vmem>>, vector<1x3x512xf32>
      %swap3A_205 = vector.shape_cast %swap3A_204 : vector<1x3x512xf32> to vector<3x512xf32>
      %swap3A_206 = vector.shape_cast %add3A_200 : vector<3x512xf32> to vector<1x3x512xf32>
      tpu.vector_store %arg6[%swap3A_201, %swap3A_202, %swap3A_203], %swap3A_206 {strides = array<i32>} : memref<16x3x512xf32, #tpu.memory_space<vmem>>, vector<1x3x512xf32>,
      %add3A_207 = arith.constant 4.500000e+00 : f32
      %add3A_208 = arith.addf %convert_element_type3A_15, %add3A_207 : f32
      %sub3A_209 = vector.broadcast %add3A_208 : f32 to vector<16x1xf32>
      %sub3A_210 = arith.subf %sub3A_209, %slice3A_43 : vector<16x1xf32>
      %mul3A_211 = arith.constant 5.000000e-01 : f32
      %mul3A_212 = vector.broadcast %mul3A_211 : f32 to vector<16x1xf32>
      %mul3A_213 = arith.mulf %mul3A_212, %slice3A_46 : vector<16x1xf32>
      %mul3A_214 = arith.mulf %sub3A_210, %sub3A_210 : vector<16x1xf32>
      %mul3A_215 = arith.mulf %mul3A_213, %mul3A_214 : vector<16x1xf32>
      %add3A_216 = vector.broadcast %mul3A_215 : vector<16x1xf32> to vector<16x512xf32>
      %add3A_217 = arith.addf %mul3A_59, %add3A_216 : vector<16x512xf32>
      %mul3A_218 = vector.broadcast %sub3A_210 : vector<16x1xf32> to vector<16x512xf32>
      %mul3A_219 = arith.mulf %mul3A_218, %mul3A_61 : vector<16x512xf32>
      %add3A_220 = arith.addf %add3A_217, %mul3A_219 : vector<16x512xf32>
      %neg3A_221 = arith.constant 0.000000e+00 : f32
      %neg3A_222 = vector.broadcast %neg3A_221 : f32 to vector<16x512xf32>
      %neg3A_223 = arith.subf %neg3A_222, %add3A_220 : vector<16x512xf32>
      %exp3A_224 = math.exp %neg3A_223 : vector<16x512xf32>
      %jit3A_225 = arith.constant 0.000000e+00 : f32
      %broadcast_in_dim3A_226 = vector.shape_cast %lt3A_42 : vector<16x1xi1> to vector<16x1xi1>
      %broadcast_in_dim3A_227 = vector.broadcast %broadcast_in_dim3A_226 : vector<16x1xi1> to vector<16x512xi1>
      %broadcast_in_dim3A_228 = vector.broadcast %jit3A_225 : f32 to vector<16x512xf32>
      %select_n3A_229 = arith.select %broadcast_in_dim3A_227, %exp3A_224, %broadcast_in_dim3A_228 : vector<16x512xi1>, vector<16x512xf32>
      %dot_general3A_230 = arith.constant dense<0.000000e+00> : vector<3x512xf32>
      %dot_general3A_231 = tpu.matmul %select_n3A, %select_n3A_229, %dot_general3A_230 {dimension_numbers = #tpu.dot_dimension_numbers<[0], [0], [1], [1], [0, 1, 1, 1], [], []>, transpose_lhs_hint = false} : vector<16x3xf32>, vector<16x512xf32>, vector<3x512xf32> -> vector<3x512xf32>
      %get3A_232 = arith.constant 4 : index
      %get3A_233 = arith.constant 0 : index
      %get3A_234 = arith.constant 0 : index
      %get3A_235 = vector.load %arg6[%get3A_232, %get3A_233, %get3A_234] : memref<16x3x512xf32, #tpu.memory_space<vmem>>, vector<1x3x512xf32>
      %get3A_236 = vector.shape_cast %get3A_235 : vector<1x3x512xf32> to vector<3x512xf32>
      %add3A_237 = arith.addf %get3A_236, %dot_general3A_231 : vector<3x512xf32>
      %swap3A_238 = arith.constant 4 : index
      %swap3A_239 = arith.constant 0 : index
      %swap3A_240 = arith.constant 0 : index
      %swap3A_241 = vector.load %arg6[%swap3A_238, %swap3A_239, %swap3A_240] : memref<16x3x512xf32, #tpu.memory_space<vmem>>, vector<1x3x512xf32>
      %swap3A_242 = vector.shape_cast %swap3A_241 : vector<1x3x512xf32> to vector<3x512xf32>
      %swap3A_243 = vector.shape_cast %add3A_237 : vector<3x512xf32> to vector<1x3x512xf32>
      tpu.vector_store %arg6[%swap3A_238, %swap3A_239, %swap3A_240], %swap3A_243 {strides = array<i32>} : memref<16x3x512xf32, #tpu.memory_space<vmem>>, vector<1x3x512xf32>,
      %add3A_244 = arith.constant 5.500000e+00 : f32
      %add3A_245 = arith.addf %convert_element_type3A_15, %add3A_244 : f32
      %sub3A_246 = vector.broadcast %add3A_245 : f32 to vector<16x1xf32>
      %sub3A_247 = arith.subf %sub3A_246, %slice3A_43 : vector<16x1xf32>
      %mul3A_248 = arith.constant 5.000000e-01 : f32
      %mul3A_249 = vector.broadcast %mul3A_248 : f32 to vector<16x1xf32>
      %mul3A_250 = arith.mulf %mul3A_249, %slice3A_46 : vector<16x1xf32>
      %mul3A_251 = arith.mulf %sub3A_247, %sub3A_247 : vector<16x1xf32>
      %mul3A_252 = arith.mulf %mul3A_250, %mul3A_251 : vector<16x1xf32>
      %add3A_253 = vector.broadcast %mul3A_252 : vector<16x1xf32> to vector<16x512xf32>
      %add3A_254 = arith.addf %mul3A_59, %add3A_253 : vector<16x512xf32>
      %mul3A_255 = vector.broadcast %sub3A_247 : vector<16x1xf32> to vector<16x512xf32>
      %mul3A_256 = arith.mulf %mul3A_255, %mul3A_61 : vector<16x512xf32>
      %add3A_257 = arith.addf %add3A_254, %mul3A_256 : vector<16x512xf32>
      %neg3A_258 = arith.constant 0.000000e+00 : f32
      %neg3A_259 = vector.broadcast %neg3A_258 : f32 to vector<16x512xf32>
      %neg3A_260 = arith.subf %neg3A_259, %add3A_257 : vector<16x512xf32>
      %exp3A_261 = math.exp %neg3A_260 : vector<16x512xf32>
      %jit3A_262 = arith.constant 0.000000e+00 : f32
      %broadcast_in_dim3A_263 = vector.shape_cast %lt3A_42 : vector<16x1xi1> to vector<16x1xi1>
      %broadcast_in_dim3A_264 = vector.broadcast %broadcast_in_dim3A_263 : vector<16x1xi1> to vector<16x512xi1>
      %broadcast_in_dim3A_265 = vector.broadcast %jit3A_262 : f32 to vector<16x512xf32>
      %select_n3A_266 = arith.select %broadcast_in_dim3A_264, %exp3A_261, %broadcast_in_dim3A_265 : vector<16x512xi1>, vector<16x512xf32>
      %dot_general3A_267 = arith.constant dense<0.000000e+00> : vector<3x512xf32>
      %dot_general3A_268 = tpu.matmul %select_n3A, %select_n3A_266, %dot_general3A_267 {dimension_numbers = #tpu.dot_dimension_numbers<[0], [0], [1], [1], [0, 1, 1, 1], [], []>, transpose_lhs_hint = false} : vector<16x3xf32>, vector<16x512xf32>, vector<3x512xf32> -> vector<3x512xf32>
      %get3A_269 = arith.constant 5 : index
      %get3A_270 = arith.constant 0 : index
      %get3A_271 = arith.constant 0 : index
      %get3A_272 = vector.load %arg6[%get3A_269, %get3A_270, %get3A_271] : memref<16x3x512xf32, #tpu.memory_space<vmem>>, vector<1x3x512xf32>
      %get3A_273 = vector.shape_cast %get3A_272 : vector<1x3x512xf32> to vector<3x512xf32>
      %add3A_274 = arith.addf %get3A_273, %dot_general3A_268 : vector<3x512xf32>
      %swap3A_275 = arith.constant 5 : index
      %swap3A_276 = arith.constant 0 : index
      %swap3A_277 = arith.constant 0 : index
      %swap3A_278 = vector.load %arg6[%swap3A_275, %swap3A_276, %swap3A_277] : memref<16x3x512xf32, #tpu.memory_space<vmem>>, vector<1x3x512xf32>
      %swap3A_279 = vector.shape_cast %swap3A_278 : vector<1x3x512xf32> to vector<3x512xf32>
      %swap3A_280 = vector.shape_cast %add3A_274 : vector<3x512xf32> to vector<1x3x512xf32>
      tpu.vector_store %arg6[%swap3A_275, %swap3A_276, %swap3A_277], %swap3A_280 {strides = array<i32>} : memref<16x3x512xf32, #tpu.memory_space<vmem>>, vector<1x3x512xf32>,
      %add3A_281 = arith.constant 6.500000e+00 : f32
      %add3A_282 = arith.addf %convert_element_type3A_15, %add3A_281 : f32
      %sub3A_283 = vector.broadcast %add3A_282 : f32 to vector<16x1xf32>
      %sub3A_284 = arith.subf %sub3A_283, %slice3A_43 : vector<16x1xf32>
      %mul3A_285 = arith.constant 5.000000e-01 : f32
      %mul3A_286 = vector.broadcast %mul3A_285 : f32 to vector<16x1xf32>
      %mul3A_287 = arith.mulf %mul3A_286, %slice3A_46 : vector<16x1xf32>
      %mul3A_288 = arith.mulf %sub3A_284, %sub3A_284 : vector<16x1xf32>
      %mul3A_289 = arith.mulf %mul3A_287, %mul3A_288 : vector<16x1xf32>
      %add3A_290 = vector.broadcast %mul3A_289 : vector<16x1xf32> to vector<16x512xf32>
      %add3A_291 = arith.addf %mul3A_59, %add3A_290 : vector<16x512xf32>
      %mul3A_292 = vector.broadcast %sub3A_284 : vector<16x1xf32> to vector<16x512xf32>
      %mul3A_293 = arith.mulf %mul3A_292, %mul3A_61 : vector<16x512xf32>
      %add3A_294 = arith.addf %add3A_291, %mul3A_293 : vector<16x512xf32>
      %neg3A_295 = arith.constant 0.000000e+00 : f32
      %neg3A_296 = vector.broadcast %neg3A_295 : f32 to vector<16x512xf32>
      %neg3A_297 = arith.subf %neg3A_296, %add3A_294 : vector<16x512xf32>
      %exp3A_298 = math.exp %neg3A_297 : vector<16x512xf32>
      %jit3A_299 = arith.constant 0.000000e+00 : f32
      %broadcast_in_dim3A_300 = vector.shape_cast %lt3A_42 : vector<16x1xi1> to vector<16x1xi1>
      %broadcast_in_dim3A_301 = vector.broadcast %broadcast_in_dim3A_300 : vector<16x1xi1> to vector<16x512xi1>
      %broadcast_in_dim3A_302 = vector.broadcast %jit3A_299 : f32 to vector<16x512xf32>
      %select_n3A_303 = arith.select %broadcast_in_dim3A_301, %exp3A_298, %broadcast_in_dim3A_302 : vector<16x512xi1>, vector<16x512xf32>
      %dot_general3A_304 = arith.constant dense<0.000000e+00> : vector<3x512xf32>
      %dot_general3A_305 = tpu.matmul %select_n3A, %select_n3A_303, %dot_general3A_304 {dimension_numbers = #tpu.dot_dimension_numbers<[0], [0], [1], [1], [0, 1, 1, 1], [], []>, transpose_lhs_hint = false} : vector<16x3xf32>, vector<16x512xf32>, vector<3x512xf32> -> vector<3x512xf32>
      %get3A_306 = arith.constant 6 : index
      %get3A_307 = arith.constant 0 : index
      %get3A_308 = arith.constant 0 : index
      %get3A_309 = vector.load %arg6[%get3A_306, %get3A_307, %get3A_308] : memref<16x3x512xf32, #tpu.memory_space<vmem>>, vector<1x3x512xf32>
      %get3A_310 = vector.shape_cast %get3A_309 : vector<1x3x512xf32> to vector<3x512xf32>
      %add3A_311 = arith.addf %get3A_310, %dot_general3A_305 : vector<3x512xf32>
      %swap3A_312 = arith.constant 6 : index
      %swap3A_313 = arith.constant 0 : index
      %swap3A_314 = arith.constant 0 : index
      %swap3A_315 = vector.load %arg6[%swap3A_312, %swap3A_313, %swap3A_314] : memref<16x3x512xf32, #tpu.memory_space<vmem>>, vector<1x3x512xf32>
      %swap3A_316 = vector.shape_cast %swap3A_315 : vector<1x3x512xf32> to vector<3x512xf32>
      %swap3A_317 = vector.shape_cast %add3A_311 : vector<3x512xf32> to vector<1x3x512xf32>
      tpu.vector_store %arg6[%swap3A_312, %swap3A_313, %swap3A_314], %swap3A_317 {strides = array<i32>} : memref<16x3x512xf32, #tpu.memory_space<vmem>>, vector<1x3x512xf32>,
      %add3A_318 = arith.constant 7.500000e+00 : f32
      %add3A_319 = arith.addf %convert_element_type3A_15, %add3A_318 : f32
      %sub3A_320 = vector.broadcast %add3A_319 : f32 to vector<16x1xf32>
      %sub3A_321 = arith.subf %sub3A_320, %slice3A_43 : vector<16x1xf32>
      %mul3A_322 = arith.constant 5.000000e-01 : f32
      %mul3A_323 = vector.broadcast %mul3A_322 : f32 to vector<16x1xf32>
      %mul3A_324 = arith.mulf %mul3A_323, %slice3A_46 : vector<16x1xf32>
      %mul3A_325 = arith.mulf %sub3A_321, %sub3A_321 : vector<16x1xf32>
      %mul3A_326 = arith.mulf %mul3A_324, %mul3A_325 : vector<16x1xf32>
      %add3A_327 = vector.broadcast %mul3A_326 : vector<16x1xf32> to vector<16x512xf32>
      %add3A_328 = arith.addf %mul3A_59, %add3A_327 : vector<16x512xf32>
      %mul3A_329 = vector.broadcast %sub3A_321 : vector<16x1xf32> to vector<16x512xf32>
      %mul3A_330 = arith.mulf %mul3A_329, %mul3A_61 : vector<16x512xf32>
      %add3A_331 = arith.addf %add3A_328, %mul3A_330 : vector<16x512xf32>
      %neg3A_332 = arith.constant 0.000000e+00 : f32
      %neg3A_333 = vector.broadcast %neg3A_332 : f32 to vector<16x512xf32>
      %neg3A_334 = arith.subf %neg3A_333, %add3A_331 : vector<16x512xf32>
      %exp3A_335 = math.exp %neg3A_334 : vector<16x512xf32>
      %jit3A_336 = arith.constant 0.000000e+00 : f32
      %broadcast_in_dim3A_337 = vector.shape_cast %lt3A_42 : vector<16x1xi1> to vector<16x1xi1>
      %broadcast_in_dim3A_338 = vector.broadcast %broadcast_in_dim3A_337 : vector<16x1xi1> to vector<16x512xi1>
      %broadcast_in_dim3A_339 = vector.broadcast %jit3A_336 : f32 to vector<16x512xf32>
      %select_n3A_340 = arith.select %broadcast_in_dim3A_338, %exp3A_335, %broadcast_in_dim3A_339 : vector<16x512xi1>, vector<16x512xf32>
      %dot_general3A_341 = arith.constant dense<0.000000e+00> : vector<3x512xf32>
      %dot_general3A_342 = tpu.matmul %select_n3A, %select_n3A_340, %dot_general3A_341 {dimension_numbers = #tpu.dot_dimension_numbers<[0], [0], [1], [1], [0, 1, 1, 1], [], []>, transpose_lhs_hint = false} : vector<16x3xf32>, vector<16x512xf32>, vector<3x512xf32> -> vector<3x512xf32>
      %get3A_343 = arith.constant 7 : index
      %get3A_344 = arith.constant 0 : index
      %get3A_345 = arith.constant 0 : index
      %get3A_346 = vector.load %arg6[%get3A_343, %get3A_344, %get3A_345] : memref<16x3x512xf32, #tpu.memory_space<vmem>>, vector<1x3x512xf32>
      %get3A_347 = vector.shape_cast %get3A_346 : vector<1x3x512xf32> to vector<3x512xf32>
      %add3A_348 = arith.addf %get3A_347, %dot_general3A_342 : vector<3x512xf32>
      %swap3A_349 = arith.constant 7 : index
      %swap3A_350 = arith.constant 0 : index
      %swap3A_351 = arith.constant 0 : index
      %swap3A_352 = vector.load %arg6[%swap3A_349, %swap3A_350, %swap3A_351] : memref<16x3x512xf32, #tpu.memory_space<vmem>>, vector<1x3x512xf32>
      %swap3A_353 = vector.shape_cast %swap3A_352 : vector<1x3x512xf32> to vector<3x512xf32>
      %swap3A_354 = vector.shape_cast %add3A_348 : vector<3x512xf32> to vector<1x3x512xf32>
      tpu.vector_store %arg6[%swap3A_349, %swap3A_350, %swap3A_351], %swap3A_354 {strides = array<i32>} : memref<16x3x512xf32, #tpu.memory_space<vmem>>, vector<1x3x512xf32>,
      %add3A_355 = arith.constant 8.500000e+00 : f32
      %add3A_356 = arith.addf %convert_element_type3A_15, %add3A_355 : f32
      %sub3A_357 = vector.broadcast %add3A_356 : f32 to vector<16x1xf32>
      %sub3A_358 = arith.subf %sub3A_357, %slice3A_43 : vector<16x1xf32>
      %mul3A_359 = arith.constant 5.000000e-01 : f32
      %mul3A_360 = vector.broadcast %mul3A_359 : f32 to vector<16x1xf32>
      %mul3A_361 = arith.mulf %mul3A_360, %slice3A_46 : vector<16x1xf32>
      %mul3A_362 = arith.mulf %sub3A_358, %sub3A_358 : vector<16x1xf32>
      %mul3A_363 = arith.mulf %mul3A_361, %mul3A_362 : vector<16x1xf32>
      %add3A_364 = vector.broadcast %mul3A_363 : vector<16x1xf32> to vector<16x512xf32>
      %add3A_365 = arith.addf %mul3A_59, %add3A_364 : vector<16x512xf32>
      %mul3A_366 = vector.broadcast %sub3A_358 : vector<16x1xf32> to vector<16x512xf32>
      %mul3A_367 = arith.mulf %mul3A_366, %mul3A_61 : vector<16x512xf32>
      %add3A_368 = arith.addf %add3A_365, %mul3A_367 : vector<16x512xf32>
      %neg3A_369 = arith.constant 0.000000e+00 : f32
      %neg3A_370 = vector.broadcast %neg3A_369 : f32 to vector<16x512xf32>
      %neg3A_371 = arith.subf %neg3A_370, %add3A_368 : vector<16x512xf32>
      %exp3A_372 = math.exp %neg3A_371 : vector<16x512xf32>
      %jit3A_373 = arith.constant 0.000000e+00 : f32
      %broadcast_in_dim3A_374 = vector.shape_cast %lt3A_42 : vector<16x1xi1> to vector<16x1xi1>
      %broadcast_in_dim3A_375 = vector.broadcast %broadcast_in_dim3A_374 : vector<16x1xi1> to vector<16x512xi1>
      %broadcast_in_dim3A_376 = vector.broadcast %jit3A_373 : f32 to vector<16x512xf32>
      %select_n3A_377 = arith.select %broadcast_in_dim3A_375, %exp3A_372, %broadcast_in_dim3A_376 : vector<16x512xi1>, vector<16x512xf32>
      %dot_general3A_378 = arith.constant dense<0.000000e+00> : vector<3x512xf32>
      %dot_general3A_379 = tpu.matmul %select_n3A, %select_n3A_377, %dot_general3A_378 {dimension_numbers = #tpu.dot_dimension_numbers<[0], [0], [1], [1], [0, 1, 1, 1], [], []>, transpose_lhs_hint = false} : vector<16x3xf32>, vector<16x512xf32>, vector<3x512xf32> -> vector<3x512xf32>
      %get3A_380 = arith.constant 8 : index
      %get3A_381 = arith.constant 0 : index
      %get3A_382 = arith.constant 0 : index
      %get3A_383 = vector.load %arg6[%get3A_380, %get3A_381, %get3A_382] : memref<16x3x512xf32, #tpu.memory_space<vmem>>, vector<1x3x512xf32>
      %get3A_384 = vector.shape_cast %get3A_383 : vector<1x3x512xf32> to vector<3x512xf32>
      %add3A_385 = arith.addf %get3A_384, %dot_general3A_379 : vector<3x512xf32>
      %swap3A_386 = arith.constant 8 : index
      %swap3A_387 = arith.constant 0 : index
      %swap3A_388 = arith.constant 0 : index
      %swap3A_389 = vector.load %arg6[%swap3A_386, %swap3A_387, %swap3A_388] : memref<16x3x512xf32, #tpu.memory_space<vmem>>, vector<1x3x512xf32>
      %swap3A_390 = vector.shape_cast %swap3A_389 : vector<1x3x512xf32> to vector<3x512xf32>
      %swap3A_391 = vector.shape_cast %add3A_385 : vector<3x512xf32> to vector<1x3x512xf32>
      tpu.vector_store %arg6[%swap3A_386, %swap3A_387, %swap3A_388], %swap3A_391 {strides = array<i32>} : memref<16x3x512xf32, #tpu.memory_space<vmem>>, vector<1x3x512xf32>,
      %add3A_392 = arith.constant 9.500000e+00 : f32
      %add3A_393 = arith.addf %convert_element_type3A_15, %add3A_392 : f32
      %sub3A_394 = vector.broadcast %add3A_393 : f32 to vector<16x1xf32>
      %sub3A_395 = arith.subf %sub3A_394, %slice3A_43 : vector<16x1xf32>
      %mul3A_396 = arith.constant 5.000000e-01 : f32
      %mul3A_397 = vector.broadcast %mul3A_396 : f32 to vector<16x1xf32>
      %mul3A_398 = arith.mulf %mul3A_397, %slice3A_46 : vector<16x1xf32>
      %mul3A_399 = arith.mulf %sub3A_395, %sub3A_395 : vector<16x1xf32>
      %mul3A_400 = arith.mulf %mul3A_398, %mul3A_399 : vector<16x1xf32>
      %add3A_401 = vector.broadcast %mul3A_400 : vector<16x1xf32> to vector<16x512xf32>
      %add3A_402 = arith.addf %mul3A_59, %add3A_401 : vector<16x512xf32>
      %mul3A_403 = vector.broadcast %sub3A_395 : vector<16x1xf32> to vector<16x512xf32>
      %mul3A_404 = arith.mulf %mul3A_403, %mul3A_61 : vector<16x512xf32>
      %add3A_405 = arith.addf %add3A_402, %mul3A_404 : vector<16x512xf32>
      %neg3A_406 = arith.constant 0.000000e+00 : f32
      %neg3A_407 = vector.broadcast %neg3A_406 : f32 to vector<16x512xf32>
      %neg3A_408 = arith.subf %neg3A_407, %add3A_405 : vector<16x512xf32>
      %exp3A_409 = math.exp %neg3A_408 : vector<16x512xf32>
      %jit3A_410 = arith.constant 0.000000e+00 : f32
      %broadcast_in_dim3A_411 = vector.shape_cast %lt3A_42 : vector<16x1xi1> to vector<16x1xi1>
      %broadcast_in_dim3A_412 = vector.broadcast %broadcast_in_dim3A_411 : vector<16x1xi1> to vector<16x512xi1>
      %broadcast_in_dim3A_413 = vector.broadcast %jit3A_410 : f32 to vector<16x512xf32>
      %select_n3A_414 = arith.select %broadcast_in_dim3A_412, %exp3A_409, %broadcast_in_dim3A_413 : vector<16x512xi1>, vector<16x512xf32>
      %dot_general3A_415 = arith.constant dense<0.000000e+00> : vector<3x512xf32>
      %dot_general3A_416 = tpu.matmul %select_n3A, %select_n3A_414, %dot_general3A_415 {dimension_numbers = #tpu.dot_dimension_numbers<[0], [0], [1], [1], [0, 1, 1, 1], [], []>, transpose_lhs_hint = false} : vector<16x3xf32>, vector<16x512xf32>, vector<3x512xf32> -> vector<3x512xf32>
      %get3A_417 = arith.constant 9 : index
      %get3A_418 = arith.constant 0 : index
      %get3A_419 = arith.constant 0 : index
      %get3A_420 = vector.load %arg6[%get3A_417, %get3A_418, %get3A_419] : memref<16x3x512xf32, #tpu.memory_space<vmem>>, vector<1x3x512xf32>
      %get3A_421 = vector.shape_cast %get3A_420 : vector<1x3x512xf32> to vector<3x512xf32>
      %add3A_422 = arith.addf %get3A_421, %dot_general3A_416 : vector<3x512xf32>
      %swap3A_423 = arith.constant 9 : index
      %swap3A_424 = arith.constant 0 : index
      %swap3A_425 = arith.constant 0 : index
      %swap3A_426 = vector.load %arg6[%swap3A_423, %swap3A_424, %swap3A_425] : memref<16x3x512xf32, #tpu.memory_space<vmem>>, vector<1x3x512xf32>
      %swap3A_427 = vector.shape_cast %swap3A_426 : vector<1x3x512xf32> to vector<3x512xf32>
      %swap3A_428 = vector.shape_cast %add3A_422 : vector<3x512xf32> to vector<1x3x512xf32>
      tpu.vector_store %arg6[%swap3A_423, %swap3A_424, %swap3A_425], %swap3A_428 {strides = array<i32>} : memref<16x3x512xf32, #tpu.memory_space<vmem>>, vector<1x3x512xf32>,
      %add3A_429 = arith.constant 1.050000e+01 : f32
      %add3A_430 = arith.addf %convert_element_type3A_15, %add3A_429 : f32
      %sub3A_431 = vector.broadcast %add3A_430 : f32 to vector<16x1xf32>
      %sub3A_432 = arith.subf %sub3A_431, %slice3A_43 : vector<16x1xf32>
      %mul3A_433 = arith.constant 5.000000e-01 : f32
      %mul3A_434 = vector.broadcast %mul3A_433 : f32 to vector<16x1xf32>
      %mul3A_435 = arith.mulf %mul3A_434, %slice3A_46 : vector<16x1xf32>
      %mul3A_436 = arith.mulf %sub3A_432, %sub3A_432 : vector<16x1xf32>
      %mul3A_437 = arith.mulf %mul3A_435, %mul3A_436 : vector<16x1xf32>
      %add3A_438 = vector.broadcast %mul3A_437 : vector<16x1xf32> to vector<16x512xf32>
      %add3A_439 = arith.addf %mul3A_59, %add3A_438 : vector<16x512xf32>
      %mul3A_440 = vector.broadcast %sub3A_432 : vector<16x1xf32> to vector<16x512xf32>
      %mul3A_441 = arith.mulf %mul3A_440, %mul3A_61 : vector<16x512xf32>
      %add3A_442 = arith.addf %add3A_439, %mul3A_441 : vector<16x512xf32>
      %neg3A_443 = arith.constant 0.000000e+00 : f32
      %neg3A_444 = vector.broadcast %neg3A_443 : f32 to vector<16x512xf32>
      %neg3A_445 = arith.subf %neg3A_444, %add3A_442 : vector<16x512xf32>
      %exp3A_446 = math.exp %neg3A_445 : vector<16x512xf32>
      %jit3A_447 = arith.constant 0.000000e+00 : f32
      %broadcast_in_dim3A_448 = vector.shape_cast %lt3A_42 : vector<16x1xi1> to vector<16x1xi1>
      %broadcast_in_dim3A_449 = vector.broadcast %broadcast_in_dim3A_448 : vector<16x1xi1> to vector<16x512xi1>
      %broadcast_in_dim3A_450 = vector.broadcast %jit3A_447 : f32 to vector<16x512xf32>
      %select_n3A_451 = arith.select %broadcast_in_dim3A_449, %exp3A_446, %broadcast_in_dim3A_450 : vector<16x512xi1>, vector<16x512xf32>
      %dot_general3A_452 = arith.constant dense<0.000000e+00> : vector<3x512xf32>
      %dot_general3A_453 = tpu.matmul %select_n3A, %select_n3A_451, %dot_general3A_452 {dimension_numbers = #tpu.dot_dimension_numbers<[0], [0], [1], [1], [0, 1, 1, 1], [], []>, transpose_lhs_hint = false} : vector<16x3xf32>, vector<16x512xf32>, vector<3x512xf32> -> vector<3x512xf32>
      %get3A_454 = arith.constant 10 : index
      %get3A_455 = arith.constant 0 : index
      %get3A_456 = arith.constant 0 : index
      %get3A_457 = vector.load %arg6[%get3A_454, %get3A_455, %get3A_456] : memref<16x3x512xf32, #tpu.memory_space<vmem>>, vector<1x3x512xf32>
      %get3A_458 = vector.shape_cast %get3A_457 : vector<1x3x512xf32> to vector<3x512xf32>
      %add3A_459 = arith.addf %get3A_458, %dot_general3A_453 : vector<3x512xf32>
      %swap3A_460 = arith.constant 10 : index
      %swap3A_461 = arith.constant 0 : index
      %swap3A_462 = arith.constant 0 : index
      %swap3A_463 = vector.load %arg6[%swap3A_460, %swap3A_461, %swap3A_462] : memref<16x3x512xf32, #tpu.memory_space<vmem>>, vector<1x3x512xf32>
      %swap3A_464 = vector.shape_cast %swap3A_463 : vector<1x3x512xf32> to vector<3x512xf32>
      %swap3A_465 = vector.shape_cast %add3A_459 : vector<3x512xf32> to vector<1x3x512xf32>
      tpu.vector_store %arg6[%swap3A_460, %swap3A_461, %swap3A_462], %swap3A_465 {strides = array<i32>} : memref<16x3x512xf32, #tpu.memory_space<vmem>>, vector<1x3x512xf32>,
      %add3A_466 = arith.constant 1.150000e+01 : f32
      %add3A_467 = arith.addf %convert_element_type3A_15, %add3A_466 : f32
      %sub3A_468 = vector.broadcast %add3A_467 : f32 to vector<16x1xf32>
      %sub3A_469 = arith.subf %sub3A_468, %slice3A_43 : vector<16x1xf32>
      %mul3A_470 = arith.constant 5.000000e-01 : f32
      %mul3A_471 = vector.broadcast %mul3A_470 : f32 to vector<16x1xf32>
      %mul3A_472 = arith.mulf %mul3A_471, %slice3A_46 : vector<16x1xf32>
      %mul3A_473 = arith.mulf %sub3A_469, %sub3A_469 : vector<16x1xf32>
      %mul3A_474 = arith.mulf %mul3A_472, %mul3A_473 : vector<16x1xf32>
      %add3A_475 = vector.broadcast %mul3A_474 : vector<16x1xf32> to vector<16x512xf32>
      %add3A_476 = arith.addf %mul3A_59, %add3A_475 : vector<16x512xf32>
      %mul3A_477 = vector.broadcast %sub3A_469 : vector<16x1xf32> to vector<16x512xf32>
      %mul3A_478 = arith.mulf %mul3A_477, %mul3A_61 : vector<16x512xf32>
      %add3A_479 = arith.addf %add3A_476, %mul3A_478 : vector<16x512xf32>
      %neg3A_480 = arith.constant 0.000000e+00 : f32
      %neg3A_481 = vector.broadcast %neg3A_480 : f32 to vector<16x512xf32>
      %neg3A_482 = arith.subf %neg3A_481, %add3A_479 : vector<16x512xf32>
      %exp3A_483 = math.exp %neg3A_482 : vector<16x512xf32>
      %jit3A_484 = arith.constant 0.000000e+00 : f32
      %broadcast_in_dim3A_485 = vector.shape_cast %lt3A_42 : vector<16x1xi1> to vector<16x1xi1>
      %broadcast_in_dim3A_486 = vector.broadcast %broadcast_in_dim3A_485 : vector<16x1xi1> to vector<16x512xi1>
      %broadcast_in_dim3A_487 = vector.broadcast %jit3A_484 : f32 to vector<16x512xf32>
      %select_n3A_488 = arith.select %broadcast_in_dim3A_486, %exp3A_483, %broadcast_in_dim3A_487 : vector<16x512xi1>, vector<16x512xf32>
      %dot_general3A_489 = arith.constant dense<0.000000e+00> : vector<3x512xf32>
      %dot_general3A_490 = tpu.matmul %select_n3A, %select_n3A_488, %dot_general3A_489 {dimension_numbers = #tpu.dot_dimension_numbers<[0], [0], [1], [1], [0, 1, 1, 1], [], []>, transpose_lhs_hint = false} : vector<16x3xf32>, vector<16x512xf32>, vector<3x512xf32> -> vector<3x512xf32>
      %get3A_491 = arith.constant 11 : index
      %get3A_492 = arith.constant 0 : index
      %get3A_493 = arith.constant 0 : index
      %get3A_494 = vector.load %arg6[%get3A_491, %get3A_492, %get3A_493] : memref<16x3x512xf32, #tpu.memory_space<vmem>>, vector<1x3x512xf32>
      %get3A_495 = vector.shape_cast %get3A_494 : vector<1x3x512xf32> to vector<3x512xf32>
      %add3A_496 = arith.addf %get3A_495, %dot_general3A_490 : vector<3x512xf32>
      %swap3A_497 = arith.constant 11 : index
      %swap3A_498 = arith.constant 0 : index
      %swap3A_499 = arith.constant 0 : index
      %swap3A_500 = vector.load %arg6[%swap3A_497, %swap3A_498, %swap3A_499] : memref<16x3x512xf32, #tpu.memory_space<vmem>>, vector<1x3x512xf32>
      %swap3A_501 = vector.shape_cast %swap3A_500 : vector<1x3x512xf32> to vector<3x512xf32>
      %swap3A_502 = vector.shape_cast %add3A_496 : vector<3x512xf32> to vector<1x3x512xf32>
      tpu.vector_store %arg6[%swap3A_497, %swap3A_498, %swap3A_499], %swap3A_502 {strides = array<i32>} : memref<16x3x512xf32, #tpu.memory_space<vmem>>, vector<1x3x512xf32>,
      %add3A_503 = arith.constant 1.250000e+01 : f32
      %add3A_504 = arith.addf %convert_element_type3A_15, %add3A_503 : f32
      %sub3A_505 = vector.broadcast %add3A_504 : f32 to vector<16x1xf32>
      %sub3A_506 = arith.subf %sub3A_505, %slice3A_43 : vector<16x1xf32>
      %mul3A_507 = arith.constant 5.000000e-01 : f32
      %mul3A_508 = vector.broadcast %mul3A_507 : f32 to vector<16x1xf32>
      %mul3A_509 = arith.mulf %mul3A_508, %slice3A_46 : vector<16x1xf32>
      %mul3A_510 = arith.mulf %sub3A_506, %sub3A_506 : vector<16x1xf32>
      %mul3A_511 = arith.mulf %mul3A_509, %mul3A_510 : vector<16x1xf32>
      %add3A_512 = vector.broadcast %mul3A_511 : vector<16x1xf32> to vector<16x512xf32>
      %add3A_513 = arith.addf %mul3A_59, %add3A_512 : vector<16x512xf32>
      %mul3A_514 = vector.broadcast %sub3A_506 : vector<16x1xf32> to vector<16x512xf32>
      %mul3A_515 = arith.mulf %mul3A_514, %mul3A_61 : vector<16x512xf32>
      %add3A_516 = arith.addf %add3A_513, %mul3A_515 : vector<16x512xf32>
      %neg3A_517 = arith.constant 0.000000e+00 : f32
      %neg3A_518 = vector.broadcast %neg3A_517 : f32 to vector<16x512xf32>
      %neg3A_519 = arith.subf %neg3A_518, %add3A_516 : vector<16x512xf32>
      %exp3A_520 = math.exp %neg3A_519 : vector<16x512xf32>
      %jit3A_521 = arith.constant 0.000000e+00 : f32
      %broadcast_in_dim3A_522 = vector.shape_cast %lt3A_42 : vector<16x1xi1> to vector<16x1xi1>
      %broadcast_in_dim3A_523 = vector.broadcast %broadcast_in_dim3A_522 : vector<16x1xi1> to vector<16x512xi1>
      %broadcast_in_dim3A_524 = vector.broadcast %jit3A_521 : f32 to vector<16x512xf32>
      %select_n3A_525 = arith.select %broadcast_in_dim3A_523, %exp3A_520, %broadcast_in_dim3A_524 : vector<16x512xi1>, vector<16x512xf32>
      %dot_general3A_526 = arith.constant dense<0.000000e+00> : vector<3x512xf32>
      %dot_general3A_527 = tpu.matmul %select_n3A, %select_n3A_525, %dot_general3A_526 {dimension_numbers = #tpu.dot_dimension_numbers<[0], [0], [1], [1], [0, 1, 1, 1], [], []>, transpose_lhs_hint = false} : vector<16x3xf32>, vector<16x512xf32>, vector<3x512xf32> -> vector<3x512xf32>
      %get3A_528 = arith.constant 12 : index
      %get3A_529 = arith.constant 0 : index
      %get3A_530 = arith.constant 0 : index
      %get3A_531 = vector.load %arg6[%get3A_528, %get3A_529, %get3A_530] : memref<16x3x512xf32, #tpu.memory_space<vmem>>, vector<1x3x512xf32>
      %get3A_532 = vector.shape_cast %get3A_531 : vector<1x3x512xf32> to vector<3x512xf32>
      %add3A_533 = arith.addf %get3A_532, %dot_general3A_527 : vector<3x512xf32>
      %swap3A_534 = arith.constant 12 : index
      %swap3A_535 = arith.constant 0 : index
      %swap3A_536 = arith.constant 0 : index
      %swap3A_537 = vector.load %arg6[%swap3A_534, %swap3A_535, %swap3A_536] : memref<16x3x512xf32, #tpu.memory_space<vmem>>, vector<1x3x512xf32>
      %swap3A_538 = vector.shape_cast %swap3A_537 : vector<1x3x512xf32> to vector<3x512xf32>
      %swap3A_539 = vector.shape_cast %add3A_533 : vector<3x512xf32> to vector<1x3x512xf32>
      tpu.vector_store %arg6[%swap3A_534, %swap3A_535, %swap3A_536], %swap3A_539 {strides = array<i32>} : memref<16x3x512xf32, #tpu.memory_space<vmem>>, vector<1x3x512xf32>,
      %add3A_540 = arith.constant 1.350000e+01 : f32
      %add3A_541 = arith.addf %convert_element_type3A_15, %add3A_540 : f32
      %sub3A_542 = vector.broadcast %add3A_541 : f32 to vector<16x1xf32>
      %sub3A_543 = arith.subf %sub3A_542, %slice3A_43 : vector<16x1xf32>
      %mul3A_544 = arith.constant 5.000000e-01 : f32
      %mul3A_545 = vector.broadcast %mul3A_544 : f32 to vector<16x1xf32>
      %mul3A_546 = arith.mulf %mul3A_545, %slice3A_46 : vector<16x1xf32>
      %mul3A_547 = arith.mulf %sub3A_543, %sub3A_543 : vector<16x1xf32>
      %mul3A_548 = arith.mulf %mul3A_546, %mul3A_547 : vector<16x1xf32>
      %add3A_549 = vector.broadcast %mul3A_548 : vector<16x1xf32> to vector<16x512xf32>
      %add3A_550 = arith.addf %mul3A_59, %add3A_549 : vector<16x512xf32>
      %mul3A_551 = vector.broadcast %sub3A_543 : vector<16x1xf32> to vector<16x512xf32>
      %mul3A_552 = arith.mulf %mul3A_551, %mul3A_61 : vector<16x512xf32>
      %add3A_553 = arith.addf %add3A_550, %mul3A_552 : vector<16x512xf32>
      %neg3A_554 = arith.constant 0.000000e+00 : f32
      %neg3A_555 = vector.broadcast %neg3A_554 : f32 to vector<16x512xf32>
      %neg3A_556 = arith.subf %neg3A_555, %add3A_553 : vector<16x512xf32>
      %exp3A_557 = math.exp %neg3A_556 : vector<16x512xf32>
      %jit3A_558 = arith.constant 0.000000e+00 : f32
      %broadcast_in_dim3A_559 = vector.shape_cast %lt3A_42 : vector<16x1xi1> to vector<16x1xi1>
      %broadcast_in_dim3A_560 = vector.broadcast %broadcast_in_dim3A_559 : vector<16x1xi1> to vector<16x512xi1>
      %broadcast_in_dim3A_561 = vector.broadcast %jit3A_558 : f32 to vector<16x512xf32>
      %select_n3A_562 = arith.select %broadcast_in_dim3A_560, %exp3A_557, %broadcast_in_dim3A_561 : vector<16x512xi1>, vector<16x512xf32>
      %dot_general3A_563 = arith.constant dense<0.000000e+00> : vector<3x512xf32>
      %dot_general3A_564 = tpu.matmul %select_n3A, %select_n3A_562, %dot_general3A_563 {dimension_numbers = #tpu.dot_dimension_numbers<[0], [0], [1], [1], [0, 1, 1, 1], [], []>, transpose_lhs_hint = false} : vector<16x3xf32>, vector<16x512xf32>, vector<3x512xf32> -> vector<3x512xf32>
      %get3A_565 = arith.constant 13 : index
      %get3A_566 = arith.constant 0 : index
      %get3A_567 = arith.constant 0 : index
      %get3A_568 = vector.load %arg6[%get3A_565, %get3A_566, %get3A_567] : memref<16x3x512xf32, #tpu.memory_space<vmem>>, vector<1x3x512xf32>
      %get3A_569 = vector.shape_cast %get3A_568 : vector<1x3x512xf32> to vector<3x512xf32>
      %add3A_570 = arith.addf %get3A_569, %dot_general3A_564 : vector<3x512xf32>
      %swap3A_571 = arith.constant 13 : index
      %swap3A_572 = arith.constant 0 : index
      %swap3A_573 = arith.constant 0 : index
      %swap3A_574 = vector.load %arg6[%swap3A_571, %swap3A_572, %swap3A_573] : memref<16x3x512xf32, #tpu.memory_space<vmem>>, vector<1x3x512xf32>
      %swap3A_575 = vector.shape_cast %swap3A_574 : vector<1x3x512xf32> to vector<3x512xf32>
      %swap3A_576 = vector.shape_cast %add3A_570 : vector<3x512xf32> to vector<1x3x512xf32>
      tpu.vector_store %arg6[%swap3A_571, %swap3A_572, %swap3A_573], %swap3A_576 {strides = array<i32>} : memref<16x3x512xf32, #tpu.memory_space<vmem>>, vector<1x3x512xf32>,
      %add3A_577 = arith.constant 1.450000e+01 : f32
      %add3A_578 = arith.addf %convert_element_type3A_15, %add3A_577 : f32
      %sub3A_579 = vector.broadcast %add3A_578 : f32 to vector<16x1xf32>
      %sub3A_580 = arith.subf %sub3A_579, %slice3A_43 : vector<16x1xf32>
      %mul3A_581 = arith.constant 5.000000e-01 : f32
      %mul3A_582 = vector.broadcast %mul3A_581 : f32 to vector<16x1xf32>
      %mul3A_583 = arith.mulf %mul3A_582, %slice3A_46 : vector<16x1xf32>
      %mul3A_584 = arith.mulf %sub3A_580, %sub3A_580 : vector<16x1xf32>
      %mul3A_585 = arith.mulf %mul3A_583, %mul3A_584 : vector<16x1xf32>
      %add3A_586 = vector.broadcast %mul3A_585 : vector<16x1xf32> to vector<16x512xf32>
      %add3A_587 = arith.addf %mul3A_59, %add3A_586 : vector<16x512xf32>
      %mul3A_588 = vector.broadcast %sub3A_580 : vector<16x1xf32> to vector<16x512xf32>
      %mul3A_589 = arith.mulf %mul3A_588, %mul3A_61 : vector<16x512xf32>
      %add3A_590 = arith.addf %add3A_587, %mul3A_589 : vector<16x512xf32>
      %neg3A_591 = arith.constant 0.000000e+00 : f32
      %neg3A_592 = vector.broadcast %neg3A_591 : f32 to vector<16x512xf32>
      %neg3A_593 = arith.subf %neg3A_592, %add3A_590 : vector<16x512xf32>
      %exp3A_594 = math.exp %neg3A_593 : vector<16x512xf32>
      %jit3A_595 = arith.constant 0.000000e+00 : f32
      %broadcast_in_dim3A_596 = vector.shape_cast %lt3A_42 : vector<16x1xi1> to vector<16x1xi1>
      %broadcast_in_dim3A_597 = vector.broadcast %broadcast_in_dim3A_596 : vector<16x1xi1> to vector<16x512xi1>
      %broadcast_in_dim3A_598 = vector.broadcast %jit3A_595 : f32 to vector<16x512xf32>
      %select_n3A_599 = arith.select %broadcast_in_dim3A_597, %exp3A_594, %broadcast_in_dim3A_598 : vector<16x512xi1>, vector<16x512xf32>
      %dot_general3A_600 = arith.constant dense<0.000000e+00> : vector<3x512xf32>
      %dot_general3A_601 = tpu.matmul %select_n3A, %select_n3A_599, %dot_general3A_600 {dimension_numbers = #tpu.dot_dimension_numbers<[0], [0], [1], [1], [0, 1, 1, 1], [], []>, transpose_lhs_hint = false} : vector<16x3xf32>, vector<16x512xf32>, vector<3x512xf32> -> vector<3x512xf32>
      %get3A_602 = arith.constant 14 : index
      %get3A_603 = arith.constant 0 : index
      %get3A_604 = arith.constant 0 : index
      %get3A_605 = vector.load %arg6[%get3A_602, %get3A_603, %get3A_604] : memref<16x3x512xf32, #tpu.memory_space<vmem>>, vector<1x3x512xf32>
      %get3A_606 = vector.shape_cast %get3A_605 : vector<1x3x512xf32> to vector<3x512xf32>
      %add3A_607 = arith.addf %get3A_606, %dot_general3A_601 : vector<3x512xf32>
      %swap3A_608 = arith.constant 14 : index
      %swap3A_609 = arith.constant 0 : index
      %swap3A_610 = arith.constant 0 : index
      %swap3A_611 = vector.load %arg6[%swap3A_608, %swap3A_609, %swap3A_610] : memref<16x3x512xf32, #tpu.memory_space<vmem>>, vector<1x3x512xf32>
      %swap3A_612 = vector.shape_cast %swap3A_611 : vector<1x3x512xf32> to vector<3x512xf32>
      %swap3A_613 = vector.shape_cast %add3A_607 : vector<3x512xf32> to vector<1x3x512xf32>
      tpu.vector_store %arg6[%swap3A_608, %swap3A_609, %swap3A_610], %swap3A_613 {strides = array<i32>} : memref<16x3x512xf32, #tpu.memory_space<vmem>>, vector<1x3x512xf32>,
      %add3A_614 = arith.constant 1.550000e+01 : f32
      %add3A_615 = arith.addf %convert_element_type3A_15, %add3A_614 : f32
      %sub3A_616 = vector.broadcast %add3A_615 : f32 to vector<16x1xf32>
      %sub3A_617 = arith.subf %sub3A_616, %slice3A_43 : vector<16x1xf32>
      %mul3A_618 = arith.constant 5.000000e-01 : f32
      %mul3A_619 = vector.broadcast %mul3A_618 : f32 to vector<16x1xf32>
      %mul3A_620 = arith.mulf %mul3A_619, %slice3A_46 : vector<16x1xf32>
      %mul3A_621 = arith.mulf %sub3A_617, %sub3A_617 : vector<16x1xf32>
      %mul3A_622 = arith.mulf %mul3A_620, %mul3A_621 : vector<16x1xf32>
      %add3A_623 = vector.broadcast %mul3A_622 : vector<16x1xf32> to vector<16x512xf32>
      %add3A_624 = arith.addf %mul3A_59, %add3A_623 : vector<16x512xf32>
      %mul3A_625 = vector.broadcast %sub3A_617 : vector<16x1xf32> to vector<16x512xf32>
      %mul3A_626 = arith.mulf %mul3A_625, %mul3A_61 : vector<16x512xf32>
      %add3A_627 = arith.addf %add3A_624, %mul3A_626 : vector<16x512xf32>
      %neg3A_628 = arith.constant 0.000000e+00 : f32
      %neg3A_629 = vector.broadcast %neg3A_628 : f32 to vector<16x512xf32>
      %neg3A_630 = arith.subf %neg3A_629, %add3A_627 : vector<16x512xf32>
      %exp3A_631 = math.exp %neg3A_630 : vector<16x512xf32>
      %jit3A_632 = arith.constant 0.000000e+00 : f32
      %broadcast_in_dim3A_633 = vector.shape_cast %lt3A_42 : vector<16x1xi1> to vector<16x1xi1>
      %broadcast_in_dim3A_634 = vector.broadcast %broadcast_in_dim3A_633 : vector<16x1xi1> to vector<16x512xi1>
      %broadcast_in_dim3A_635 = vector.broadcast %jit3A_632 : f32 to vector<16x512xf32>
      %select_n3A_636 = arith.select %broadcast_in_dim3A_634, %exp3A_631, %broadcast_in_dim3A_635 : vector<16x512xi1>, vector<16x512xf32>
      %dot_general3A_637 = arith.constant dense<0.000000e+00> : vector<3x512xf32>
      %dot_general3A_638 = tpu.matmul %select_n3A, %select_n3A_636, %dot_general3A_637 {dimension_numbers = #tpu.dot_dimension_numbers<[0], [0], [1], [1], [0, 1, 1, 1], [], []>, transpose_lhs_hint = false} : vector<16x3xf32>, vector<16x512xf32>, vector<3x512xf32> -> vector<3x512xf32>
      %get3A_639 = arith.constant 15 : index
      %get3A_640 = arith.constant 0 : index
      %get3A_641 = arith.constant 0 : index
      %get3A_642 = vector.load %arg6[%get3A_639, %get3A_640, %get3A_641] : memref<16x3x512xf32, #tpu.memory_space<vmem>>, vector<1x3x512xf32>
      %get3A_643 = vector.shape_cast %get3A_642 : vector<1x3x512xf32> to vector<3x512xf32>
      %add3A_644 = arith.addf %get3A_643, %dot_general3A_638 : vector<3x512xf32>
      %swap3A_645 = arith.constant 15 : index
      %swap3A_646 = arith.constant 0 : index
      %swap3A_647 = arith.constant 0 : index
      %swap3A_648 = vector.load %arg6[%swap3A_645, %swap3A_646, %swap3A_647] : memref<16x3x512xf32, #tpu.memory_space<vmem>>, vector<1x3x512xf32>
      %swap3A_649 = vector.shape_cast %swap3A_648 : vector<1x3x512xf32> to vector<3x512xf32>
      %swap3A_650 = vector.shape_cast %add3A_644 : vector<3x512xf32> to vector<1x3x512xf32>
      tpu.vector_store %arg6[%swap3A_645, %swap3A_646, %swap3A_647], %swap3A_650 {strides = array<i32>} : memref<16x3x512xf32, #tpu.memory_space<vmem>>, vector<1x3x512xf32>,
    }
    %while3A_29 = arith.constant 1 : i32
    scf.for %while3A_30 = %while3A_27 to %while3A_23 step %while3A_29  : i32 {
      %mul3A_31 = arith.constant 16 : i32
      %mul3A_32 = arith.muli %while3A_30, %mul3A_31 : i32
      %add3A_33 = arith.addi %get3A_1, %mul3A_32 : i32
      %get3A_34 = arith.index_cast %add3A_33 : i32 to index
      %get3A_35 = arith.constant 0 : index
      %get3A_36 = vector.load %arg5[%get3A_34, %get3A_35] : memref<6664x128xf32, #tpu.memory_space<vmem>>, vector<16x128xf32>
      %mul3A_37 = arith.constant 16 : i32
      %mul3A_38 = arith.muli %while3A_30, %mul3A_37 : i32
      %add3A_39 = vector.broadcast %mul3A_38 : i32 to vector<16x1xi32>
      %add3A_40 = arith.addi %iota3A_16, %add3A_39 : vector<16x1xi32>
      %sub3A = arith.constant 0 : i32
      %sub3A_41 = arith.subi %get3A_5, %sub3A : i32
      %lt3A = vector.broadcast %sub3A_41 : i32 to vector<16x1xi32>
      %lt3A_42 = arith.cmpi slt, %add3A_40, %lt3A : vector<16x1xi32>
      %slice3A = vector.extract_strided_slice %get3A_36 {offsets = [0, 0], sizes = [16, 1], strides = [1, 1]} : vector<16x128xf32> to vector<16x1xf32>
      %slice3A_43 = vector.extract_strided_slice %get3A_36 {offsets = [0, 1], sizes = [16, 1], strides = [1, 1]} : vector<16x128xf32> to vector<16x1xf32>
      %slice3A_44 = vector.extract_strided_slice %get3A_36 {offsets = [0, 2], sizes = [16, 1], strides = [1, 1]} : vector<16x128xf32> to vector<16x1xf32>
      %slice3A_45 = vector.extract_strided_slice %get3A_36 {offsets = [0, 3], sizes = [16, 1], strides = [1, 1]} : vector<16x128xf32> to vector<16x1xf32>
      %slice3A_46 = vector.extract_strided_slice %get3A_36 {offsets = [0, 4], sizes = [16, 1], strides = [1, 1]} : vector<16x128xf32> to vector<16x1xf32>
      %slice3A_47 = vector.extract_strided_slice %get3A_36 {offsets = [0, 5], sizes = [16, 3], strides = [1, 1]} : vector<16x128xf32> to vector<16x3xf32>
      %jit3A = arith.constant 0.000000e+00 : f32
      %broadcast_in_dim3A_48 = vector.shape_cast %lt3A_42 : vector<16x1xi1> to vector<16x1xi1>
      %broadcast_in_dim3A_49 = vector.broadcast %broadcast_in_dim3A_48 : vector<16x1xi1> to vector<16x3xi1>
      %broadcast_in_dim3A_50 = vector.broadcast %jit3A : f32 to vector<16x3xf32>
      %select_n3A = arith.select %broadcast_in_dim3A_49, %slice3A_47, %broadcast_in_dim3A_50 : vector<16x3xi1>, vector<16x3xf32>
      %sub3A_51 = vector.broadcast %add3A_12 : vector<1x512xf32> to vector<16x512xf32>
      %sub3A_52 = vector.broadcast %slice3A : vector<16x1xf32> to vector<16x512xf32>
      %sub3A_53 = arith.subf %sub3A_51, %sub3A_52 : vector<16x512xf32>
      %mul3A_54 = arith.constant 5.000000e-01 : f32
      %mul3A_55 = vector.broadcast %mul3A_54 : f32 to vector<16x1xf32>
      %mul3A_56 = arith.mulf %mul3A_55, %slice3A_44 : vector<16x1xf32>
      %mul3A_57 = vector.broadcast %mul3A_56 : vector<16x1xf32> to vector<16x512xf32>
      %mul3A_58 = arith.mulf %mul3A_57, %sub3A_53 : vector<16x512xf32>
      %mul3A_59 = arith.mulf %mul3A_58, %sub3A_53 : vector<16x512xf32>
      %mul3A_60 = vector.broadcast %slice3A_45 : vector<16x1xf32> to vector<16x512xf32>
      %mul3A_61 = arith.mulf %mul3A_60, %sub3A_53 : vector<16x512xf32>
      %add3A_62 = arith.constant 5.000000e-01 : f32
      %add3A_63 = arith.addf %convert_element_type3A_15, %add3A_62 : f32
      %sub3A_64 = vector.broadcast %add3A_63 : f32 to vector<16x1xf32>
      %sub3A_65 = arith.subf %sub3A_64, %slice3A_43 : vector<16x1xf32>
      %mul3A_66 = arith.constant 5.000000e-01 : f32
      %mul3A_67 = vector.broadcast %mul3A_66 : f32 to vector<16x1xf32>
      %mul3A_68 = arith.mulf %mul3A_67, %slice3A_46 : vector<16x1xf32>
      %mul3A_69 = arith.mulf %sub3A_65, %sub3A_65 : vector<16x1xf32>
      %mul3A_70 = arith.mulf %mul3A_68, %mul3A_69 : vector<16x1xf32>
      %add3A_71 = vector.broadcast %mul3A_70 : vector<16x1xf32> to vector<16x512xf32>
      %add3A_72 = arith.addf %mul3A_59, %add3A_71 : vector<16x512xf32>
      %mul3A_73 = vector.broadcast %sub3A_65 : vector<16x1xf32> to vector<16x512xf32>
      %mul3A_74 = arith.mulf %mul3A_73, %mul3A_61 : vector<16x512xf32>
      %add3A_75 = arith.addf %add3A_72, %mul3A_74 : vector<16x512xf32>
      %neg3A = arith.constant 0.000000e+00 : f32
      %neg3A_76 = vector.broadcast %neg3A : f32 to vector<16x512xf32>
      %neg3A_77 = arith.subf %neg3A_76, %add3A_75 : vector<16x512xf32>
      %exp3A = math.exp %neg3A_77 : vector<16x512xf32>
      %jit3A_78 = arith.constant 0.000000e+00 : f32
      %broadcast_in_dim3A_79 = vector.shape_cast %lt3A_42 : vector<16x1xi1> to vector<16x1xi1>
      %broadcast_in_dim3A_80 = vector.broadcast %broadcast_in_dim3A_79 : vector<16x1xi1> to vector<16x512xi1>
      %broadcast_in_dim3A_81 = vector.broadcast %jit3A_78 : f32 to vector<16x512xf32>
      %select_n3A_82 = arith.select %broadcast_in_dim3A_80, %exp3A, %broadcast_in_dim3A_81 : vector<16x512xi1>, vector<16x512xf32>
      %dot_general3A = arith.constant dense<0.000000e+00> : vector<3x512xf32>
      %dot_general3A_83 = tpu.matmul %select_n3A, %select_n3A_82, %dot_general3A {dimension_numbers = #tpu.dot_dimension_numbers<[0], [0], [1], [1], [0, 1, 1, 1], [], []>, transpose_lhs_hint = false} : vector<16x3xf32>, vector<16x512xf32>, vector<3x512xf32> -> vector<3x512xf32>
      %get3A_84 = arith.constant 0 : index
      %get3A_85 = arith.constant 0 : index
      %get3A_86 = arith.constant 0 : index
      %get3A_87 = vector.load %arg6[%get3A_84, %get3A_85, %get3A_86] : memref<16x3x512xf32, #tpu.memory_space<vmem>>, vector<1x3x512xf32>
      %get3A_88 = vector.shape_cast %get3A_87 : vector<1x3x512xf32> to vector<3x512xf32>
      %add3A_89 = arith.addf %get3A_88, %dot_general3A_83 : vector<3x512xf32>
      %swap3A_90 = arith.constant 0 : index
      %swap3A_91 = arith.constant 0 : index
      %swap3A_92 = arith.constant 0 : index
      %swap3A_93 = vector.load %arg6[%swap3A_90, %swap3A_91, %swap3A_92] : memref<16x3x512xf32, #tpu.memory_space<vmem>>, vector<1x3x512xf32>
      %swap3A_94 = vector.shape_cast %swap3A_93 : vector<1x3x512xf32> to vector<3x512xf32>
      %swap3A_95 = vector.shape_cast %add3A_89 : vector<3x512xf32> to vector<1x3x512xf32>
      tpu.vector_store %arg6[%swap3A_90, %swap3A_91, %swap3A_92], %swap3A_95 {strides = array<i32>} : memref<16x3x512xf32, #tpu.memory_space<vmem>>, vector<1x3x512xf32>,
      %add3A_96 = arith.constant 1.500000e+00 : f32
      %add3A_97 = arith.addf %convert_element_type3A_15, %add3A_96 : f32
      %sub3A_98 = vector.broadcast %add3A_97 : f32 to vector<16x1xf32>
      %sub3A_99 = arith.subf %sub3A_98, %slice3A_43 : vector<16x1xf32>
      %mul3A_100 = arith.constant 5.000000e-01 : f32
      %mul3A_101 = vector.broadcast %mul3A_100 : f32 to vector<16x1xf32>
      %mul3A_102 = arith.mulf %mul3A_101, %slice3A_46 : vector<16x1xf32>
      %mul3A_103 = arith.mulf %sub3A_99, %sub3A_99 : vector<16x1xf32>
      %mul3A_104 = arith.mulf %mul3A_102, %mul3A_103 : vector<16x1xf32>
      %add3A_105 = vector.broadcast %mul3A_104 : vector<16x1xf32> to vector<16x512xf32>
      %add3A_106 = arith.addf %mul3A_59, %add3A_105 : vector<16x512xf32>
      %mul3A_107 = vector.broadcast %sub3A_99 : vector<16x1xf32> to vector<16x512xf32>
      %mul3A_108 = arith.mulf %mul3A_107, %mul3A_61 : vector<16x512xf32>
      %add3A_109 = arith.addf %add3A_106, %mul3A_108 : vector<16x512xf32>
      %neg3A_110 = arith.constant 0.000000e+00 : f32
      %neg3A_111 = vector.broadcast %neg3A_110 : f32 to vector<16x512xf32>
      %neg3A_112 = arith.subf %neg3A_111, %add3A_109 : vector<16x512xf32>
      %exp3A_113 = math.exp %neg3A_112 : vector<16x512xf32>
      %jit3A_114 = arith.constant 0.000000e+00 : f32
      %broadcast_in_dim3A_115 = vector.shape_cast %lt3A_42 : vector<16x1xi1> to vector<16x1xi1>
      %broadcast_in_dim3A_116 = vector.broadcast %broadcast_in_dim3A_115 : vector<16x1xi1> to vector<16x512xi1>
      %broadcast_in_dim3A_117 = vector.broadcast %jit3A_114 : f32 to vector<16x512xf32>
      %select_n3A_118 = arith.select %broadcast_in_dim3A_116, %exp3A_113, %broadcast_in_dim3A_117 : vector<16x512xi1>, vector<16x512xf32>
      %dot_general3A_119 = arith.constant dense<0.000000e+00> : vector<3x512xf32>
      %dot_general3A_120 = tpu.matmul %select_n3A, %select_n3A_118, %dot_general3A_119 {dimension_numbers = #tpu.dot_dimension_numbers<[0], [0], [1], [1], [0, 1, 1, 1], [], []>, transpose_lhs_hint = false} : vector<16x3xf32>, vector<16x512xf32>, vector<3x512xf32> -> vector<3x512xf32>
      %get3A_121 = arith.constant 1 : index
      %get3A_122 = arith.constant 0 : index
      %get3A_123 = arith.constant 0 : index
      %get3A_124 = vector.load %arg6[%get3A_121, %get3A_122, %get3A_123] : memref<16x3x512xf32, #tpu.memory_space<vmem>>, vector<1x3x512xf32>
      %get3A_125 = vector.shape_cast %get3A_124 : vector<1x3x512xf32> to vector<3x512xf32>
      %add3A_126 = arith.addf %get3A_125, %dot_general3A_120 : vector<3x512xf32>
      %swap3A_127 = arith.constant 1 : index
      %swap3A_128 = arith.constant 0 : index
      %swap3A_129 = arith.constant 0 : index
      %swap3A_130 = vector.load %arg6[%swap3A_127, %swap3A_128, %swap3A_129] : memref<16x3x512xf32, #tpu.memory_space<vmem>>, vector<1x3x512xf32>
      %swap3A_131 = vector.shape_cast %swap3A_130 : vector<1x3x512xf32> to vector<3x512xf32>
      %swap3A_132 = vector.shape_cast %add3A_126 : vector<3x512xf32> to vector<1x3x512xf32>
      tpu.vector_store %arg6[%swap3A_127, %swap3A_128, %swap3A_129], %swap3A_132 {strides = array<i32>} : memref<16x3x512xf32, #tpu.memory_space<vmem>>, vector<1x3x512xf32>,
      %add3A_133 = arith.constant 2.500000e+00 : f32
      %add3A_134 = arith.addf %convert_element_type3A_15, %add3A_133 : f32
      %sub3A_135 = vector.broadcast %add3A_134 : f32 to vector<16x1xf32>
      %sub3A_136 = arith.subf %sub3A_135, %slice3A_43 : vector<16x1xf32>
      %mul3A_137 = arith.constant 5.000000e-01 : f32
      %mul3A_138 = vector.broadcast %mul3A_137 : f32 to vector<16x1xf32>
      %mul3A_139 = arith.mulf %mul3A_138, %slice3A_46 : vector<16x1xf32>
      %mul3A_140 = arith.mulf %sub3A_136, %sub3A_136 : vector<16x1xf32>
      %mul3A_141 = arith.mulf %mul3A_139, %mul3A_140 : vector<16x1xf32>
      %add3A_142 = vector.broadcast %mul3A_141 : vector<16x1xf32> to vector<16x512xf32>
      %add3A_143 = arith.addf %mul3A_59, %add3A_142 : vector<16x512xf32>
      %mul3A_144 = vector.broadcast %sub3A_136 : vector<16x1xf32> to vector<16x512xf32>
      %mul3A_145 = arith.mulf %mul3A_144, %mul3A_61 : vector<16x512xf32>
      %add3A_146 = arith.addf %add3A_143, %mul3A_145 : vector<16x512xf32>
      %neg3A_147 = arith.constant 0.000000e+00 : f32
      %neg3A_148 = vector.broadcast %neg3A_147 : f32 to vector<16x512xf32>
      %neg3A_149 = arith.subf %neg3A_148, %add3A_146 : vector<16x512xf32>
      %exp3A_150 = math.exp %neg3A_149 : vector<16x512xf32>
      %jit3A_151 = arith.constant 0.000000e+00 : f32
      %broadcast_in_dim3A_152 = vector.shape_cast %lt3A_42 : vector<16x1xi1> to vector<16x1xi1>
      %broadcast_in_dim3A_153 = vector.broadcast %broadcast_in_dim3A_152 : vector<16x1xi1> to vector<16x512xi1>
      %broadcast_in_dim3A_154 = vector.broadcast %jit3A_151 : f32 to vector<16x512xf32>
      %select_n3A_155 = arith.select %broadcast_in_dim3A_153, %exp3A_150, %broadcast_in_dim3A_154 : vector<16x512xi1>, vector<16x512xf32>
      %dot_general3A_156 = arith.constant dense<0.000000e+00> : vector<3x512xf32>
      %dot_general3A_157 = tpu.matmul %select_n3A, %select_n3A_155, %dot_general3A_156 {dimension_numbers = #tpu.dot_dimension_numbers<[0], [0], [1], [1], [0, 1, 1, 1], [], []>, transpose_lhs_hint = false} : vector<16x3xf32>, vector<16x512xf32>, vector<3x512xf32> -> vector<3x512xf32>
      %get3A_158 = arith.constant 2 : index
      %get3A_159 = arith.constant 0 : index
      %get3A_160 = arith.constant 0 : index
      %get3A_161 = vector.load %arg6[%get3A_158, %get3A_159, %get3A_160] : memref<16x3x512xf32, #tpu.memory_space<vmem>>, vector<1x3x512xf32>
      %get3A_162 = vector.shape_cast %get3A_161 : vector<1x3x512xf32> to vector<3x512xf32>
      %add3A_163 = arith.addf %get3A_162, %dot_general3A_157 : vector<3x512xf32>
      %swap3A_164 = arith.constant 2 : index
      %swap3A_165 = arith.constant 0 : index
      %swap3A_166 = arith.constant 0 : index
      %swap3A_167 = vector.load %arg6[%swap3A_164, %swap3A_165, %swap3A_166] : memref<16x3x512xf32, #tpu.memory_space<vmem>>, vector<1x3x512xf32>
      %swap3A_168 = vector.shape_cast %swap3A_167 : vector<1x3x512xf32> to vector<3x512xf32>
      %swap3A_169 = vector.shape_cast %add3A_163 : vector<3x512xf32> to vector<1x3x512xf32>
      tpu.vector_store %arg6[%swap3A_164, %swap3A_165, %swap3A_166], %swap3A_169 {strides = array<i32>} : memref<16x3x512xf32, #tpu.memory_space<vmem>>, vector<1x3x512xf32>,
      %add3A_170 = arith.constant 3.500000e+00 : f32
      %add3A_171 = arith.addf %convert_element_type3A_15, %add3A_170 : f32
      %sub3A_172 = vector.broadcast %add3A_171 : f32 to vector<16x1xf32>
      %sub3A_173 = arith.subf %sub3A_172, %slice3A_43 : vector<16x1xf32>
      %mul3A_174 = arith.constant 5.000000e-01 : f32
      %mul3A_175 = vector.broadcast %mul3A_174 : f32 to vector<16x1xf32>
      %mul3A_176 = arith.mulf %mul3A_175, %slice3A_46 : vector<16x1xf32>
      %mul3A_177 = arith.mulf %sub3A_173, %sub3A_173 : vector<16x1xf32>
      %mul3A_178 = arith.mulf %mul3A_176, %mul3A_177 : vector<16x1xf32>
      %add3A_179 = vector.broadcast %mul3A_178 : vector<16x1xf32> to vector<16x512xf32>
      %add3A_180 = arith.addf %mul3A_59, %add3A_179 : vector<16x512xf32>
      %mul3A_181 = vector.broadcast %sub3A_173 : vector<16x1xf32> to vector<16x512xf32>
      %mul3A_182 = arith.mulf %mul3A_181, %mul3A_61 : vector<16x512xf32>
      %add3A_183 = arith.addf %add3A_180, %mul3A_182 : vector<16x512xf32>
      %neg3A_184 = arith.constant 0.000000e+00 : f32
      %neg3A_185 = vector.broadcast %neg3A_184 : f32 to vector<16x512xf32>
      %neg3A_186 = arith.subf %neg3A_185, %add3A_183 : vector<16x512xf32>
      %exp3A_187 = math.exp %neg3A_186 : vector<16x512xf32>
      %jit3A_188 = arith.constant 0.000000e+00 : f32
      %broadcast_in_dim3A_189 = vector.shape_cast %lt3A_42 : vector<16x1xi1> to vector<16x1xi1>
      %broadcast_in_dim3A_190 = vector.broadcast %broadcast_in_dim3A_189 : vector<16x1xi1> to vector<16x512xi1>
      %broadcast_in_dim3A_191 = vector.broadcast %jit3A_188 : f32 to vector<16x512xf32>
      %select_n3A_192 = arith.select %broadcast_in_dim3A_190, %exp3A_187, %broadcast_in_dim3A_191 : vector<16x512xi1>, vector<16x512xf32>
      %dot_general3A_193 = arith.constant dense<0.000000e+00> : vector<3x512xf32>
      %dot_general3A_194 = tpu.matmul %select_n3A, %select_n3A_192, %dot_general3A_193 {dimension_numbers = #tpu.dot_dimension_numbers<[0], [0], [1], [1], [0, 1, 1, 1], [], []>, transpose_lhs_hint = false} : vector<16x3xf32>, vector<16x512xf32>, vector<3x512xf32> -> vector<3x512xf32>
      %get3A_195 = arith.constant 3 : index
      %get3A_196 = arith.constant 0 : index
      %get3A_197 = arith.constant 0 : index
      %get3A_198 = vector.load %arg6[%get3A_195, %get3A_196, %get3A_197] : memref<16x3x512xf32, #tpu.memory_space<vmem>>, vector<1x3x512xf32>
      %get3A_199 = vector.shape_cast %get3A_198 : vector<1x3x512xf32> to vector<3x512xf32>
      %add3A_200 = arith.addf %get3A_199, %dot_general3A_194 : vector<3x512xf32>
      %swap3A_201 = arith.constant 3 : index
      %swap3A_202 = arith.constant 0 : index
      %swap3A_203 = arith.constant 0 : index
      %swap3A_204 = vector.load %arg6[%swap3A_201, %swap3A_202, %swap3A_203] : memref<16x3x512xf32, #tpu.memory_space<vmem>>, vector<1x3x512xf32>
      %swap3A_205 = vector.shape_cast %swap3A_204 : vector<1x3x512xf32> to vector<3x512xf32>
      %swap3A_206 = vector.shape_cast %add3A_200 : vector<3x512xf32> to vector<1x3x512xf32>
      tpu.vector_store %arg6[%swap3A_201, %swap3A_202, %swap3A_203], %swap3A_206 {strides = array<i32>} : memref<16x3x512xf32, #tpu.memory_space<vmem>>, vector<1x3x512xf32>,
      %add3A_207 = arith.constant 4.500000e+00 : f32
      %add3A_208 = arith.addf %convert_element_type3A_15, %add3A_207 : f32
      %sub3A_209 = vector.broadcast %add3A_208 : f32 to vector<16x1xf32>
      %sub3A_210 = arith.subf %sub3A_209, %slice3A_43 : vector<16x1xf32>
      %mul3A_211 = arith.constant 5.000000e-01 : f32
      %mul3A_212 = vector.broadcast %mul3A_211 : f32 to vector<16x1xf32>
      %mul3A_213 = arith.mulf %mul3A_212, %slice3A_46 : vector<16x1xf32>
      %mul3A_214 = arith.mulf %sub3A_210, %sub3A_210 : vector<16x1xf32>
      %mul3A_215 = arith.mulf %mul3A_213, %mul3A_214 : vector<16x1xf32>
      %add3A_216 = vector.broadcast %mul3A_215 : vector<16x1xf32> to vector<16x512xf32>
      %add3A_217 = arith.addf %mul3A_59, %add3A_216 : vector<16x512xf32>
      %mul3A_218 = vector.broadcast %sub3A_210 : vector<16x1xf32> to vector<16x512xf32>
      %mul3A_219 = arith.mulf %mul3A_218, %mul3A_61 : vector<16x512xf32>
      %add3A_220 = arith.addf %add3A_217, %mul3A_219 : vector<16x512xf32>
      %neg3A_221 = arith.constant 0.000000e+00 : f32
      %neg3A_222 = vector.broadcast %neg3A_221 : f32 to vector<16x512xf32>
      %neg3A_223 = arith.subf %neg3A_222, %add3A_220 : vector<16x512xf32>
      %exp3A_224 = math.exp %neg3A_223 : vector<16x512xf32>
      %jit3A_225 = arith.constant 0.000000e+00 : f32
      %broadcast_in_dim3A_226 = vector.shape_cast %lt3A_42 : vector<16x1xi1> to vector<16x1xi1>
      %broadcast_in_dim3A_227 = vector.broadcast %broadcast_in_dim3A_226 : vector<16x1xi1> to vector<16x512xi1>
      %broadcast_in_dim3A_228 = vector.broadcast %jit3A_225 : f32 to vector<16x512xf32>
      %select_n3A_229 = arith.select %broadcast_in_dim3A_227, %exp3A_224, %broadcast_in_dim3A_228 : vector<16x512xi1>, vector<16x512xf32>
      %dot_general3A_230 = arith.constant dense<0.000000e+00> : vector<3x512xf32>
      %dot_general3A_231 = tpu.matmul %select_n3A, %select_n3A_229, %dot_general3A_230 {dimension_numbers = #tpu.dot_dimension_numbers<[0], [0], [1], [1], [0, 1, 1, 1], [], []>, transpose_lhs_hint = false} : vector<16x3xf32>, vector<16x512xf32>, vector<3x512xf32> -> vector<3x512xf32>
      %get3A_232 = arith.constant 4 : index
      %get3A_233 = arith.constant 0 : index
      %get3A_234 = arith.constant 0 : index
      %get3A_235 = vector.load %arg6[%get3A_232, %get3A_233, %get3A_234] : memref<16x3x512xf32, #tpu.memory_space<vmem>>, vector<1x3x512xf32>
      %get3A_236 = vector.shape_cast %get3A_235 : vector<1x3x512xf32> to vector<3x512xf32>
      %add3A_237 = arith.addf %get3A_236, %dot_general3A_231 : vector<3x512xf32>
      %swap3A_238 = arith.constant 4 : index
      %swap3A_239 = arith.constant 0 : index
      %swap3A_240 = arith.constant 0 : index
      %swap3A_241 = vector.load %arg6[%swap3A_238, %swap3A_239, %swap3A_240] : memref<16x3x512xf32, #tpu.memory_space<vmem>>, vector<1x3x512xf32>
      %swap3A_242 = vector.shape_cast %swap3A_241 : vector<1x3x512xf32> to vector<3x512xf32>
      %swap3A_243 = vector.shape_cast %add3A_237 : vector<3x512xf32> to vector<1x3x512xf32>
      tpu.vector_store %arg6[%swap3A_238, %swap3A_239, %swap3A_240], %swap3A_243 {strides = array<i32>} : memref<16x3x512xf32, #tpu.memory_space<vmem>>, vector<1x3x512xf32>,
      %add3A_244 = arith.constant 5.500000e+00 : f32
      %add3A_245 = arith.addf %convert_element_type3A_15, %add3A_244 : f32
      %sub3A_246 = vector.broadcast %add3A_245 : f32 to vector<16x1xf32>
      %sub3A_247 = arith.subf %sub3A_246, %slice3A_43 : vector<16x1xf32>
      %mul3A_248 = arith.constant 5.000000e-01 : f32
      %mul3A_249 = vector.broadcast %mul3A_248 : f32 to vector<16x1xf32>
      %mul3A_250 = arith.mulf %mul3A_249, %slice3A_46 : vector<16x1xf32>
      %mul3A_251 = arith.mulf %sub3A_247, %sub3A_247 : vector<16x1xf32>
      %mul3A_252 = arith.mulf %mul3A_250, %mul3A_251 : vector<16x1xf32>
      %add3A_253 = vector.broadcast %mul3A_252 : vector<16x1xf32> to vector<16x512xf32>
      %add3A_254 = arith.addf %mul3A_59, %add3A_253 : vector<16x512xf32>
      %mul3A_255 = vector.broadcast %sub3A_247 : vector<16x1xf32> to vector<16x512xf32>
      %mul3A_256 = arith.mulf %mul3A_255, %mul3A_61 : vector<16x512xf32>
      %add3A_257 = arith.addf %add3A_254, %mul3A_256 : vector<16x512xf32>
      %neg3A_258 = arith.constant 0.000000e+00 : f32
      %neg3A_259 = vector.broadcast %neg3A_258 : f32 to vector<16x512xf32>
      %neg3A_260 = arith.subf %neg3A_259, %add3A_257 : vector<16x512xf32>
      %exp3A_261 = math.exp %neg3A_260 : vector<16x512xf32>
      %jit3A_262 = arith.constant 0.000000e+00 : f32
      %broadcast_in_dim3A_263 = vector.shape_cast %lt3A_42 : vector<16x1xi1> to vector<16x1xi1>
      %broadcast_in_dim3A_264 = vector.broadcast %broadcast_in_dim3A_263 : vector<16x1xi1> to vector<16x512xi1>
      %broadcast_in_dim3A_265 = vector.broadcast %jit3A_262 : f32 to vector<16x512xf32>
      %select_n3A_266 = arith.select %broadcast_in_dim3A_264, %exp3A_261, %broadcast_in_dim3A_265 : vector<16x512xi1>, vector<16x512xf32>
      %dot_general3A_267 = arith.constant dense<0.000000e+00> : vector<3x512xf32>
      %dot_general3A_268 = tpu.matmul %select_n3A, %select_n3A_266, %dot_general3A_267 {dimension_numbers = #tpu.dot_dimension_numbers<[0], [0], [1], [1], [0, 1, 1, 1], [], []>, transpose_lhs_hint = false} : vector<16x3xf32>, vector<16x512xf32>, vector<3x512xf32> -> vector<3x512xf32>
      %get3A_269 = arith.constant 5 : index
      %get3A_270 = arith.constant 0 : index
      %get3A_271 = arith.constant 0 : index
      %get3A_272 = vector.load %arg6[%get3A_269, %get3A_270, %get3A_271] : memref<16x3x512xf32, #tpu.memory_space<vmem>>, vector<1x3x512xf32>
      %get3A_273 = vector.shape_cast %get3A_272 : vector<1x3x512xf32> to vector<3x512xf32>
      %add3A_274 = arith.addf %get3A_273, %dot_general3A_268 : vector<3x512xf32>
      %swap3A_275 = arith.constant 5 : index
      %swap3A_276 = arith.constant 0 : index
      %swap3A_277 = arith.constant 0 : index
      %swap3A_278 = vector.load %arg6[%swap3A_275, %swap3A_276, %swap3A_277] : memref<16x3x512xf32, #tpu.memory_space<vmem>>, vector<1x3x512xf32>
      %swap3A_279 = vector.shape_cast %swap3A_278 : vector<1x3x512xf32> to vector<3x512xf32>
      %swap3A_280 = vector.shape_cast %add3A_274 : vector<3x512xf32> to vector<1x3x512xf32>
      tpu.vector_store %arg6[%swap3A_275, %swap3A_276, %swap3A_277], %swap3A_280 {strides = array<i32>} : memref<16x3x512xf32, #tpu.memory_space<vmem>>, vector<1x3x512xf32>,
      %add3A_281 = arith.constant 6.500000e+00 : f32
      %add3A_282 = arith.addf %convert_element_type3A_15, %add3A_281 : f32
      %sub3A_283 = vector.broadcast %add3A_282 : f32 to vector<16x1xf32>
      %sub3A_284 = arith.subf %sub3A_283, %slice3A_43 : vector<16x1xf32>
      %mul3A_285 = arith.constant 5.000000e-01 : f32
      %mul3A_286 = vector.broadcast %mul3A_285 : f32 to vector<16x1xf32>
      %mul3A_287 = arith.mulf %mul3A_286, %slice3A_46 : vector<16x1xf32>
      %mul3A_288 = arith.mulf %sub3A_284, %sub3A_284 : vector<16x1xf32>
      %mul3A_289 = arith.mulf %mul3A_287, %mul3A_288 : vector<16x1xf32>
      %add3A_290 = vector.broadcast %mul3A_289 : vector<16x1xf32> to vector<16x512xf32>
      %add3A_291 = arith.addf %mul3A_59, %add3A_290 : vector<16x512xf32>
      %mul3A_292 = vector.broadcast %sub3A_284 : vector<16x1xf32> to vector<16x512xf32>
      %mul3A_293 = arith.mulf %mul3A_292, %mul3A_61 : vector<16x512xf32>
      %add3A_294 = arith.addf %add3A_291, %mul3A_293 : vector<16x512xf32>
      %neg3A_295 = arith.constant 0.000000e+00 : f32
      %neg3A_296 = vector.broadcast %neg3A_295 : f32 to vector<16x512xf32>
      %neg3A_297 = arith.subf %neg3A_296, %add3A_294 : vector<16x512xf32>
      %exp3A_298 = math.exp %neg3A_297 : vector<16x512xf32>
      %jit3A_299 = arith.constant 0.000000e+00 : f32
      %broadcast_in_dim3A_300 = vector.shape_cast %lt3A_42 : vector<16x1xi1> to vector<16x1xi1>
      %broadcast_in_dim3A_301 = vector.broadcast %broadcast_in_dim3A_300 : vector<16x1xi1> to vector<16x512xi1>
      %broadcast_in_dim3A_302 = vector.broadcast %jit3A_299 : f32 to vector<16x512xf32>
      %select_n3A_303 = arith.select %broadcast_in_dim3A_301, %exp3A_298, %broadcast_in_dim3A_302 : vector<16x512xi1>, vector<16x512xf32>
      %dot_general3A_304 = arith.constant dense<0.000000e+00> : vector<3x512xf32>
      %dot_general3A_305 = tpu.matmul %select_n3A, %select_n3A_303, %dot_general3A_304 {dimension_numbers = #tpu.dot_dimension_numbers<[0], [0], [1], [1], [0, 1, 1, 1], [], []>, transpose_lhs_hint = false} : vector<16x3xf32>, vector<16x512xf32>, vector<3x512xf32> -> vector<3x512xf32>
      %get3A_306 = arith.constant 6 : index
      %get3A_307 = arith.constant 0 : index
      %get3A_308 = arith.constant 0 : index
      %get3A_309 = vector.load %arg6[%get3A_306, %get3A_307, %get3A_308] : memref<16x3x512xf32, #tpu.memory_space<vmem>>, vector<1x3x512xf32>
      %get3A_310 = vector.shape_cast %get3A_309 : vector<1x3x512xf32> to vector<3x512xf32>
      %add3A_311 = arith.addf %get3A_310, %dot_general3A_305 : vector<3x512xf32>
      %swap3A_312 = arith.constant 6 : index
      %swap3A_313 = arith.constant 0 : index
      %swap3A_314 = arith.constant 0 : index
      %swap3A_315 = vector.load %arg6[%swap3A_312, %swap3A_313, %swap3A_314] : memref<16x3x512xf32, #tpu.memory_space<vmem>>, vector<1x3x512xf32>
      %swap3A_316 = vector.shape_cast %swap3A_315 : vector<1x3x512xf32> to vector<3x512xf32>
      %swap3A_317 = vector.shape_cast %add3A_311 : vector<3x512xf32> to vector<1x3x512xf32>
      tpu.vector_store %arg6[%swap3A_312, %swap3A_313, %swap3A_314], %swap3A_317 {strides = array<i32>} : memref<16x3x512xf32, #tpu.memory_space<vmem>>, vector<1x3x512xf32>,
      %add3A_318 = arith.constant 7.500000e+00 : f32
      %add3A_319 = arith.addf %convert_element_type3A_15, %add3A_318 : f32
      %sub3A_320 = vector.broadcast %add3A_319 : f32 to vector<16x1xf32>
      %sub3A_321 = arith.subf %sub3A_320, %slice3A_43 : vector<16x1xf32>
      %mul3A_322 = arith.constant 5.000000e-01 : f32
      %mul3A_323 = vector.broadcast %mul3A_322 : f32 to vector<16x1xf32>
      %mul3A_324 = arith.mulf %mul3A_323, %slice3A_46 : vector<16x1xf32>
      %mul3A_325 = arith.mulf %sub3A_321, %sub3A_321 : vector<16x1xf32>
      %mul3A_326 = arith.mulf %mul3A_324, %mul3A_325 : vector<16x1xf32>
      %add3A_327 = vector.broadcast %mul3A_326 : vector<16x1xf32> to vector<16x512xf32>
      %add3A_328 = arith.addf %mul3A_59, %add3A_327 : vector<16x512xf32>
      %mul3A_329 = vector.broadcast %sub3A_321 : vector<16x1xf32> to vector<16x512xf32>
      %mul3A_330 = arith.mulf %mul3A_329, %mul3A_61 : vector<16x512xf32>
      %add3A_331 = arith.addf %add3A_328, %mul3A_330 : vector<16x512xf32>
      %neg3A_332 = arith.constant 0.000000e+00 : f32
      %neg3A_333 = vector.broadcast %neg3A_332 : f32 to vector<16x512xf32>
      %neg3A_334 = arith.subf %neg3A_333, %add3A_331 : vector<16x512xf32>
      %exp3A_335 = math.exp %neg3A_334 : vector<16x512xf32>
      %jit3A_336 = arith.constant 0.000000e+00 : f32
      %broadcast_in_dim3A_337 = vector.shape_cast %lt3A_42 : vector<16x1xi1> to vector<16x1xi1>
      %broadcast_in_dim3A_338 = vector.broadcast %broadcast_in_dim3A_337 : vector<16x1xi1> to vector<16x512xi1>
      %broadcast_in_dim3A_339 = vector.broadcast %jit3A_336 : f32 to vector<16x512xf32>
      %select_n3A_340 = arith.select %broadcast_in_dim3A_338, %exp3A_335, %broadcast_in_dim3A_339 : vector<16x512xi1>, vector<16x512xf32>
      %dot_general3A_341 = arith.constant dense<0.000000e+00> : vector<3x512xf32>
      %dot_general3A_342 = tpu.matmul %select_n3A, %select_n3A_340, %dot_general3A_341 {dimension_numbers = #tpu.dot_dimension_numbers<[0], [0], [1], [1], [0, 1, 1, 1], [], []>, transpose_lhs_hint = false} : vector<16x3xf32>, vector<16x512xf32>, vector<3x512xf32> -> vector<3x512xf32>
      %get3A_343 = arith.constant 7 : index
      %get3A_344 = arith.constant 0 : index
      %get3A_345 = arith.constant 0 : index
      %get3A_346 = vector.load %arg6[%get3A_343, %get3A_344, %get3A_345] : memref<16x3x512xf32, #tpu.memory_space<vmem>>, vector<1x3x512xf32>
      %get3A_347 = vector.shape_cast %get3A_346 : vector<1x3x512xf32> to vector<3x512xf32>
      %add3A_348 = arith.addf %get3A_347, %dot_general3A_342 : vector<3x512xf32>
      %swap3A_349 = arith.constant 7 : index
      %swap3A_350 = arith.constant 0 : index
      %swap3A_351 = arith.constant 0 : index
      %swap3A_352 = vector.load %arg6[%swap3A_349, %swap3A_350, %swap3A_351] : memref<16x3x512xf32, #tpu.memory_space<vmem>>, vector<1x3x512xf32>
      %swap3A_353 = vector.shape_cast %swap3A_352 : vector<1x3x512xf32> to vector<3x512xf32>
      %swap3A_354 = vector.shape_cast %add3A_348 : vector<3x512xf32> to vector<1x3x512xf32>
      tpu.vector_store %arg6[%swap3A_349, %swap3A_350, %swap3A_351], %swap3A_354 {strides = array<i32>} : memref<16x3x512xf32, #tpu.memory_space<vmem>>, vector<1x3x512xf32>,
      %add3A_355 = arith.constant 8.500000e+00 : f32
      %add3A_356 = arith.addf %convert_element_type3A_15, %add3A_355 : f32
      %sub3A_357 = vector.broadcast %add3A_356 : f32 to vector<16x1xf32>
      %sub3A_358 = arith.subf %sub3A_357, %slice3A_43 : vector<16x1xf32>
      %mul3A_359 = arith.constant 5.000000e-01 : f32
      %mul3A_360 = vector.broadcast %mul3A_359 : f32 to vector<16x1xf32>
      %mul3A_361 = arith.mulf %mul3A_360, %slice3A_46 : vector<16x1xf32>
      %mul3A_362 = arith.mulf %sub3A_358, %sub3A_358 : vector<16x1xf32>
      %mul3A_363 = arith.mulf %mul3A_361, %mul3A_362 : vector<16x1xf32>
      %add3A_364 = vector.broadcast %mul3A_363 : vector<16x1xf32> to vector<16x512xf32>
      %add3A_365 = arith.addf %mul3A_59, %add3A_364 : vector<16x512xf32>
      %mul3A_366 = vector.broadcast %sub3A_358 : vector<16x1xf32> to vector<16x512xf32>
      %mul3A_367 = arith.mulf %mul3A_366, %mul3A_61 : vector<16x512xf32>
      %add3A_368 = arith.addf %add3A_365, %mul3A_367 : vector<16x512xf32>
      %neg3A_369 = arith.constant 0.000000e+00 : f32
      %neg3A_370 = vector.broadcast %neg3A_369 : f32 to vector<16x512xf32>
      %neg3A_371 = arith.subf %neg3A_370, %add3A_368 : vector<16x512xf32>
      %exp3A_372 = math.exp %neg3A_371 : vector<16x512xf32>
      %jit3A_373 = arith.constant 0.000000e+00 : f32
      %broadcast_in_dim3A_374 = vector.shape_cast %lt3A_42 : vector<16x1xi1> to vector<16x1xi1>
      %broadcast_in_dim3A_375 = vector.broadcast %broadcast_in_dim3A_374 : vector<16x1xi1> to vector<16x512xi1>
      %broadcast_in_dim3A_376 = vector.broadcast %jit3A_373 : f32 to vector<16x512xf32>
      %select_n3A_377 = arith.select %broadcast_in_dim3A_375, %exp3A_372, %broadcast_in_dim3A_376 : vector<16x512xi1>, vector<16x512xf32>
      %dot_general3A_378 = arith.constant dense<0.000000e+00> : vector<3x512xf32>
      %dot_general3A_379 = tpu.matmul %select_n3A, %select_n3A_377, %dot_general3A_378 {dimension_numbers = #tpu.dot_dimension_numbers<[0], [0], [1], [1], [0, 1, 1, 1], [], []>, transpose_lhs_hint = false} : vector<16x3xf32>, vector<16x512xf32>, vector<3x512xf32> -> vector<3x512xf32>
      %get3A_380 = arith.constant 8 : index
      %get3A_381 = arith.constant 0 : index
      %get3A_382 = arith.constant 0 : index
      %get3A_383 = vector.load %arg6[%get3A_380, %get3A_381, %get3A_382] : memref<16x3x512xf32, #tpu.memory_space<vmem>>, vector<1x3x512xf32>
      %get3A_384 = vector.shape_cast %get3A_383 : vector<1x3x512xf32> to vector<3x512xf32>
      %add3A_385 = arith.addf %get3A_384, %dot_general3A_379 : vector<3x512xf32>
      %swap3A_386 = arith.constant 8 : index
      %swap3A_387 = arith.constant 0 : index
      %swap3A_388 = arith.constant 0 : index
      %swap3A_389 = vector.load %arg6[%swap3A_386, %swap3A_387, %swap3A_388] : memref<16x3x512xf32, #tpu.memory_space<vmem>>, vector<1x3x512xf32>
      %swap3A_390 = vector.shape_cast %swap3A_389 : vector<1x3x512xf32> to vector<3x512xf32>
      %swap3A_391 = vector.shape_cast %add3A_385 : vector<3x512xf32> to vector<1x3x512xf32>
      tpu.vector_store %arg6[%swap3A_386, %swap3A_387, %swap3A_388], %swap3A_391 {strides = array<i32>} : memref<16x3x512xf32, #tpu.memory_space<vmem>>, vector<1x3x512xf32>,
      %add3A_392 = arith.constant 9.500000e+00 : f32
      %add3A_393 = arith.addf %convert_element_type3A_15, %add3A_392 : f32
      %sub3A_394 = vector.broadcast %add3A_393 : f32 to vector<16x1xf32>
      %sub3A_395 = arith.subf %sub3A_394, %slice3A_43 : vector<16x1xf32>
      %mul3A_396 = arith.constant 5.000000e-01 : f32
      %mul3A_397 = vector.broadcast %mul3A_396 : f32 to vector<16x1xf32>
      %mul3A_398 = arith.mulf %mul3A_397, %slice3A_46 : vector<16x1xf32>
      %mul3A_399 = arith.mulf %sub3A_395, %sub3A_395 : vector<16x1xf32>
      %mul3A_400 = arith.mulf %mul3A_398, %mul3A_399 : vector<16x1xf32>
      %add3A_401 = vector.broadcast %mul3A_400 : vector<16x1xf32> to vector<16x512xf32>
      %add3A_402 = arith.addf %mul3A_59, %add3A_401 : vector<16x512xf32>
      %mul3A_403 = vector.broadcast %sub3A_395 : vector<16x1xf32> to vector<16x512xf32>
      %mul3A_404 = arith.mulf %mul3A_403, %mul3A_61 : vector<16x512xf32>
      %add3A_405 = arith.addf %add3A_402, %mul3A_404 : vector<16x512xf32>
      %neg3A_406 = arith.constant 0.000000e+00 : f32
      %neg3A_407 = vector.broadcast %neg3A_406 : f32 to vector<16x512xf32>
      %neg3A_408 = arith.subf %neg3A_407, %add3A_405 : vector<16x512xf32>
      %exp3A_409 = math.exp %neg3A_408 : vector<16x512xf32>
      %jit3A_410 = arith.constant 0.000000e+00 : f32
      %broadcast_in_dim3A_411 = vector.shape_cast %lt3A_42 : vector<16x1xi1> to vector<16x1xi1>
      %broadcast_in_dim3A_412 = vector.broadcast %broadcast_in_dim3A_411 : vector<16x1xi1> to vector<16x512xi1>
      %broadcast_in_dim3A_413 = vector.broadcast %jit3A_410 : f32 to vector<16x512xf32>
      %select_n3A_414 = arith.select %broadcast_in_dim3A_412, %exp3A_409, %broadcast_in_dim3A_413 : vector<16x512xi1>, vector<16x512xf32>
      %dot_general3A_415 = arith.constant dense<0.000000e+00> : vector<3x512xf32>
      %dot_general3A_416 = tpu.matmul %select_n3A, %select_n3A_414, %dot_general3A_415 {dimension_numbers = #tpu.dot_dimension_numbers<[0], [0], [1], [1], [0, 1, 1, 1], [], []>, transpose_lhs_hint = false} : vector<16x3xf32>, vector<16x512xf32>, vector<3x512xf32> -> vector<3x512xf32>
      %get3A_417 = arith.constant 9 : index
      %get3A_418 = arith.constant 0 : index
      %get3A_419 = arith.constant 0 : index
      %get3A_420 = vector.load %arg6[%get3A_417, %get3A_418, %get3A_419] : memref<16x3x512xf32, #tpu.memory_space<vmem>>, vector<1x3x512xf32>
      %get3A_421 = vector.shape_cast %get3A_420 : vector<1x3x512xf32> to vector<3x512xf32>
      %add3A_422 = arith.addf %get3A_421, %dot_general3A_416 : vector<3x512xf32>
      %swap3A_423 = arith.constant 9 : index
      %swap3A_424 = arith.constant 0 : index
      %swap3A_425 = arith.constant 0 : index
      %swap3A_426 = vector.load %arg6[%swap3A_423, %swap3A_424, %swap3A_425] : memref<16x3x512xf32, #tpu.memory_space<vmem>>, vector<1x3x512xf32>
      %swap3A_427 = vector.shape_cast %swap3A_426 : vector<1x3x512xf32> to vector<3x512xf32>
      %swap3A_428 = vector.shape_cast %add3A_422 : vector<3x512xf32> to vector<1x3x512xf32>
      tpu.vector_store %arg6[%swap3A_423, %swap3A_424, %swap3A_425], %swap3A_428 {strides = array<i32>} : memref<16x3x512xf32, #tpu.memory_space<vmem>>, vector<1x3x512xf32>,
      %add3A_429 = arith.constant 1.050000e+01 : f32
      %add3A_430 = arith.addf %convert_element_type3A_15, %add3A_429 : f32
      %sub3A_431 = vector.broadcast %add3A_430 : f32 to vector<16x1xf32>
      %sub3A_432 = arith.subf %sub3A_431, %slice3A_43 : vector<16x1xf32>
      %mul3A_433 = arith.constant 5.000000e-01 : f32
      %mul3A_434 = vector.broadcast %mul3A_433 : f32 to vector<16x1xf32>
      %mul3A_435 = arith.mulf %mul3A_434, %slice3A_46 : vector<16x1xf32>
      %mul3A_436 = arith.mulf %sub3A_432, %sub3A_432 : vector<16x1xf32>
      %mul3A_437 = arith.mulf %mul3A_435, %mul3A_436 : vector<16x1xf32>
      %add3A_438 = vector.broadcast %mul3A_437 : vector<16x1xf32> to vector<16x512xf32>
      %add3A_439 = arith.addf %mul3A_59, %add3A_438 : vector<16x512xf32>
      %mul3A_440 = vector.broadcast %sub3A_432 : vector<16x1xf32> to vector<16x512xf32>
      %mul3A_441 = arith.mulf %mul3A_440, %mul3A_61 : vector<16x512xf32>
      %add3A_442 = arith.addf %add3A_439, %mul3A_441 : vector<16x512xf32>
      %neg3A_443 = arith.constant 0.000000e+00 : f32
      %neg3A_444 = vector.broadcast %neg3A_443 : f32 to vector<16x512xf32>
      %neg3A_445 = arith.subf %neg3A_444, %add3A_442 : vector<16x512xf32>
      %exp3A_446 = math.exp %neg3A_445 : vector<16x512xf32>
      %jit3A_447 = arith.constant 0.000000e+00 : f32
      %broadcast_in_dim3A_448 = vector.shape_cast %lt3A_42 : vector<16x1xi1> to vector<16x1xi1>
      %broadcast_in_dim3A_449 = vector.broadcast %broadcast_in_dim3A_448 : vector<16x1xi1> to vector<16x512xi1>
      %broadcast_in_dim3A_450 = vector.broadcast %jit3A_447 : f32 to vector<16x512xf32>
      %select_n3A_451 = arith.select %broadcast_in_dim3A_449, %exp3A_446, %broadcast_in_dim3A_450 : vector<16x512xi1>, vector<16x512xf32>
      %dot_general3A_452 = arith.constant dense<0.000000e+00> : vector<3x512xf32>
      %dot_general3A_453 = tpu.matmul %select_n3A, %select_n3A_451, %dot_general3A_452 {dimension_numbers = #tpu.dot_dimension_numbers<[0], [0], [1], [1], [0, 1, 1, 1], [], []>, transpose_lhs_hint = false} : vector<16x3xf32>, vector<16x512xf32>, vector<3x512xf32> -> vector<3x512xf32>
      %get3A_454 = arith.constant 10 : index
      %get3A_455 = arith.constant 0 : index
      %get3A_456 = arith.constant 0 : index
      %get3A_457 = vector.load %arg6[%get3A_454, %get3A_455, %get3A_456] : memref<16x3x512xf32, #tpu.memory_space<vmem>>, vector<1x3x512xf32>
      %get3A_458 = vector.shape_cast %get3A_457 : vector<1x3x512xf32> to vector<3x512xf32>
      %add3A_459 = arith.addf %get3A_458, %dot_general3A_453 : vector<3x512xf32>
      %swap3A_460 = arith.constant 10 : index
      %swap3A_461 = arith.constant 0 : index
      %swap3A_462 = arith.constant 0 : index
      %swap3A_463 = vector.load %arg6[%swap3A_460, %swap3A_461, %swap3A_462] : memref<16x3x512xf32, #tpu.memory_space<vmem>>, vector<1x3x512xf32>
      %swap3A_464 = vector.shape_cast %swap3A_463 : vector<1x3x512xf32> to vector<3x512xf32>
      %swap3A_465 = vector.shape_cast %add3A_459 : vector<3x512xf32> to vector<1x3x512xf32>
      tpu.vector_store %arg6[%swap3A_460, %swap3A_461, %swap3A_462], %swap3A_465 {strides = array<i32>} : memref<16x3x512xf32, #tpu.memory_space<vmem>>, vector<1x3x512xf32>,
      %add3A_466 = arith.constant 1.150000e+01 : f32
      %add3A_467 = arith.addf %convert_element_type3A_15, %add3A_466 : f32
      %sub3A_468 = vector.broadcast %add3A_467 : f32 to vector<16x1xf32>
      %sub3A_469 = arith.subf %sub3A_468, %slice3A_43 : vector<16x1xf32>
      %mul3A_470 = arith.constant 5.000000e-01 : f32
      %mul3A_471 = vector.broadcast %mul3A_470 : f32 to vector<16x1xf32>
      %mul3A_472 = arith.mulf %mul3A_471, %slice3A_46 : vector<16x1xf32>
      %mul3A_473 = arith.mulf %sub3A_469, %sub3A_469 : vector<16x1xf32>
      %mul3A_474 = arith.mulf %mul3A_472, %mul3A_473 : vector<16x1xf32>
      %add3A_475 = vector.broadcast %mul3A_474 : vector<16x1xf32> to vector<16x512xf32>
      %add3A_476 = arith.addf %mul3A_59, %add3A_475 : vector<16x512xf32>
      %mul3A_477 = vector.broadcast %sub3A_469 : vector<16x1xf32> to vector<16x512xf32>
      %mul3A_478 = arith.mulf %mul3A_477, %mul3A_61 : vector<16x512xf32>
      %add3A_479 = arith.addf %add3A_476, %mul3A_478 : vector<16x512xf32>
      %neg3A_480 = arith.constant 0.000000e+00 : f32
      %neg3A_481 = vector.broadcast %neg3A_480 : f32 to vector<16x512xf32>
      %neg3A_482 = arith.subf %neg3A_481, %add3A_479 : vector<16x512xf32>
      %exp3A_483 = math.exp %neg3A_482 : vector<16x512xf32>
      %jit3A_484 = arith.constant 0.000000e+00 : f32
      %broadcast_in_dim3A_485 = vector.shape_cast %lt3A_42 : vector<16x1xi1> to vector<16x1xi1>
      %broadcast_in_dim3A_486 = vector.broadcast %broadcast_in_dim3A_485 : vector<16x1xi1> to vector<16x512xi1>
      %broadcast_in_dim3A_487 = vector.broadcast %jit3A_484 : f32 to vector<16x512xf32>
      %select_n3A_488 = arith.select %broadcast_in_dim3A_486, %exp3A_483, %broadcast_in_dim3A_487 : vector<16x512xi1>, vector<16x512xf32>
      %dot_general3A_489 = arith.constant dense<0.000000e+00> : vector<3x512xf32>
      %dot_general3A_490 = tpu.matmul %select_n3A, %select_n3A_488, %dot_general3A_489 {dimension_numbers = #tpu.dot_dimension_numbers<[0], [0], [1], [1], [0, 1, 1, 1], [], []>, transpose_lhs_hint = false} : vector<16x3xf32>, vector<16x512xf32>, vector<3x512xf32> -> vector<3x512xf32>
      %get3A_491 = arith.constant 11 : index
      %get3A_492 = arith.constant 0 : index
      %get3A_493 = arith.constant 0 : index
      %get3A_494 = vector.load %arg6[%get3A_491, %get3A_492, %get3A_493] : memref<16x3x512xf32, #tpu.memory_space<vmem>>, vector<1x3x512xf32>
      %get3A_495 = vector.shape_cast %get3A_494 : vector<1x3x512xf32> to vector<3x512xf32>
      %add3A_496 = arith.addf %get3A_495, %dot_general3A_490 : vector<3x512xf32>
      %swap3A_497 = arith.constant 11 : index
      %swap3A_498 = arith.constant 0 : index
      %swap3A_499 = arith.constant 0 : index
      %swap3A_500 = vector.load %arg6[%swap3A_497, %swap3A_498, %swap3A_499] : memref<16x3x512xf32, #tpu.memory_space<vmem>>, vector<1x3x512xf32>
      %swap3A_501 = vector.shape_cast %swap3A_500 : vector<1x3x512xf32> to vector<3x512xf32>
      %swap3A_502 = vector.shape_cast %add3A_496 : vector<3x512xf32> to vector<1x3x512xf32>
      tpu.vector_store %arg6[%swap3A_497, %swap3A_498, %swap3A_499], %swap3A_502 {strides = array<i32>} : memref<16x3x512xf32, #tpu.memory_space<vmem>>, vector<1x3x512xf32>,
      %add3A_503 = arith.constant 1.250000e+01 : f32
      %add3A_504 = arith.addf %convert_element_type3A_15, %add3A_503 : f32
      %sub3A_505 = vector.broadcast %add3A_504 : f32 to vector<16x1xf32>
      %sub3A_506 = arith.subf %sub3A_505, %slice3A_43 : vector<16x1xf32>
      %mul3A_507 = arith.constant 5.000000e-01 : f32
      %mul3A_508 = vector.broadcast %mul3A_507 : f32 to vector<16x1xf32>
      %mul3A_509 = arith.mulf %mul3A_508, %slice3A_46 : vector<16x1xf32>
      %mul3A_510 = arith.mulf %sub3A_506, %sub3A_506 : vector<16x1xf32>
      %mul3A_511 = arith.mulf %mul3A_509, %mul3A_510 : vector<16x1xf32>
      %add3A_512 = vector.broadcast %mul3A_511 : vector<16x1xf32> to vector<16x512xf32>
      %add3A_513 = arith.addf %mul3A_59, %add3A_512 : vector<16x512xf32>
      %mul3A_514 = vector.broadcast %sub3A_506 : vector<16x1xf32> to vector<16x512xf32>
      %mul3A_515 = arith.mulf %mul3A_514, %mul3A_61 : vector<16x512xf32>
      %add3A_516 = arith.addf %add3A_513, %mul3A_515 : vector<16x512xf32>
      %neg3A_517 = arith.constant 0.000000e+00 : f32
      %neg3A_518 = vector.broadcast %neg3A_517 : f32 to vector<16x512xf32>
      %neg3A_519 = arith.subf %neg3A_518, %add3A_516 : vector<16x512xf32>
      %exp3A_520 = math.exp %neg3A_519 : vector<16x512xf32>
      %jit3A_521 = arith.constant 0.000000e+00 : f32
      %broadcast_in_dim3A_522 = vector.shape_cast %lt3A_42 : vector<16x1xi1> to vector<16x1xi1>
      %broadcast_in_dim3A_523 = vector.broadcast %broadcast_in_dim3A_522 : vector<16x1xi1> to vector<16x512xi1>
      %broadcast_in_dim3A_524 = vector.broadcast %jit3A_521 : f32 to vector<16x512xf32>
      %select_n3A_525 = arith.select %broadcast_in_dim3A_523, %exp3A_520, %broadcast_in_dim3A_524 : vector<16x512xi1>, vector<16x512xf32>
      %dot_general3A_526 = arith.constant dense<0.000000e+00> : vector<3x512xf32>
      %dot_general3A_527 = tpu.matmul %select_n3A, %select_n3A_525, %dot_general3A_526 {dimension_numbers = #tpu.dot_dimension_numbers<[0], [0], [1], [1], [0, 1, 1, 1], [], []>, transpose_lhs_hint = false} : vector<16x3xf32>, vector<16x512xf32>, vector<3x512xf32> -> vector<3x512xf32>
      %get3A_528 = arith.constant 12 : index
      %get3A_529 = arith.constant 0 : index
      %get3A_530 = arith.constant 0 : index
      %get3A_531 = vector.load %arg6[%get3A_528, %get3A_529, %get3A_530] : memref<16x3x512xf32, #tpu.memory_space<vmem>>, vector<1x3x512xf32>
      %get3A_532 = vector.shape_cast %get3A_531 : vector<1x3x512xf32> to vector<3x512xf32>
      %add3A_533 = arith.addf %get3A_532, %dot_general3A_527 : vector<3x512xf32>
      %swap3A_534 = arith.constant 12 : index
      %swap3A_535 = arith.constant 0 : index
      %swap3A_536 = arith.constant 0 : index
      %swap3A_537 = vector.load %arg6[%swap3A_534, %swap3A_535, %swap3A_536] : memref<16x3x512xf32, #tpu.memory_space<vmem>>, vector<1x3x512xf32>
      %swap3A_538 = vector.shape_cast %swap3A_537 : vector<1x3x512xf32> to vector<3x512xf32>
      %swap3A_539 = vector.shape_cast %add3A_533 : vector<3x512xf32> to vector<1x3x512xf32>
      tpu.vector_store %arg6[%swap3A_534, %swap3A_535, %swap3A_536], %swap3A_539 {strides = array<i32>} : memref<16x3x512xf32, #tpu.memory_space<vmem>>, vector<1x3x512xf32>,
      %add3A_540 = arith.constant 1.350000e+01 : f32
      %add3A_541 = arith.addf %convert_element_type3A_15, %add3A_540 : f32
      %sub3A_542 = vector.broadcast %add3A_541 : f32 to vector<16x1xf32>
      %sub3A_543 = arith.subf %sub3A_542, %slice3A_43 : vector<16x1xf32>
      %mul3A_544 = arith.constant 5.000000e-01 : f32
      %mul3A_545 = vector.broadcast %mul3A_544 : f32 to vector<16x1xf32>
      %mul3A_546 = arith.mulf %mul3A_545, %slice3A_46 : vector<16x1xf32>
      %mul3A_547 = arith.mulf %sub3A_543, %sub3A_543 : vector<16x1xf32>
      %mul3A_548 = arith.mulf %mul3A_546, %mul3A_547 : vector<16x1xf32>
      %add3A_549 = vector.broadcast %mul3A_548 : vector<16x1xf32> to vector<16x512xf32>
      %add3A_550 = arith.addf %mul3A_59, %add3A_549 : vector<16x512xf32>
      %mul3A_551 = vector.broadcast %sub3A_543 : vector<16x1xf32> to vector<16x512xf32>
      %mul3A_552 = arith.mulf %mul3A_551, %mul3A_61 : vector<16x512xf32>
      %add3A_553 = arith.addf %add3A_550, %mul3A_552 : vector<16x512xf32>
      %neg3A_554 = arith.constant 0.000000e+00 : f32
      %neg3A_555 = vector.broadcast %neg3A_554 : f32 to vector<16x512xf32>
      %neg3A_556 = arith.subf %neg3A_555, %add3A_553 : vector<16x512xf32>
      %exp3A_557 = math.exp %neg3A_556 : vector<16x512xf32>
      %jit3A_558 = arith.constant 0.000000e+00 : f32
      %broadcast_in_dim3A_559 = vector.shape_cast %lt3A_42 : vector<16x1xi1> to vector<16x1xi1>
      %broadcast_in_dim3A_560 = vector.broadcast %broadcast_in_dim3A_559 : vector<16x1xi1> to vector<16x512xi1>
      %broadcast_in_dim3A_561 = vector.broadcast %jit3A_558 : f32 to vector<16x512xf32>
      %select_n3A_562 = arith.select %broadcast_in_dim3A_560, %exp3A_557, %broadcast_in_dim3A_561 : vector<16x512xi1>, vector<16x512xf32>
      %dot_general3A_563 = arith.constant dense<0.000000e+00> : vector<3x512xf32>
      %dot_general3A_564 = tpu.matmul %select_n3A, %select_n3A_562, %dot_general3A_563 {dimension_numbers = #tpu.dot_dimension_numbers<[0], [0], [1], [1], [0, 1, 1, 1], [], []>, transpose_lhs_hint = false} : vector<16x3xf32>, vector<16x512xf32>, vector<3x512xf32> -> vector<3x512xf32>
      %get3A_565 = arith.constant 13 : index
      %get3A_566 = arith.constant 0 : index
      %get3A_567 = arith.constant 0 : index
      %get3A_568 = vector.load %arg6[%get3A_565, %get3A_566, %get3A_567] : memref<16x3x512xf32, #tpu.memory_space<vmem>>, vector<1x3x512xf32>
      %get3A_569 = vector.shape_cast %get3A_568 : vector<1x3x512xf32> to vector<3x512xf32>
      %add3A_570 = arith.addf %get3A_569, %dot_general3A_564 : vector<3x512xf32>
      %swap3A_571 = arith.constant 13 : index
      %swap3A_572 = arith.constant 0 : index
      %swap3A_573 = arith.constant 0 : index
      %swap3A_574 = vector.load %arg6[%swap3A_571, %swap3A_572, %swap3A_573] : memref<16x3x512xf32, #tpu.memory_space<vmem>>, vector<1x3x512xf32>
      %swap3A_575 = vector.shape_cast %swap3A_574 : vector<1x3x512xf32> to vector<3x512xf32>
      %swap3A_576 = vector.shape_cast %add3A_570 : vector<3x512xf32> to vector<1x3x512xf32>
      tpu.vector_store %arg6[%swap3A_571, %swap3A_572, %swap3A_573], %swap3A_576 {strides = array<i32>} : memref<16x3x512xf32, #tpu.memory_space<vmem>>, vector<1x3x512xf32>,
      %add3A_577 = arith.constant 1.450000e+01 : f32
      %add3A_578 = arith.addf %convert_element_type3A_15, %add3A_577 : f32
      %sub3A_579 = vector.broadcast %add3A_578 : f32 to vector<16x1xf32>
      %sub3A_580 = arith.subf %sub3A_579, %slice3A_43 : vector<16x1xf32>
      %mul3A_581 = arith.constant 5.000000e-01 : f32
      %mul3A_582 = vector.broadcast %mul3A_581 : f32 to vector<16x1xf32>
      %mul3A_583 = arith.mulf %mul3A_582, %slice3A_46 : vector<16x1xf32>
      %mul3A_584 = arith.mulf %sub3A_580, %sub3A_580 : vector<16x1xf32>
      %mul3A_585 = arith.mulf %mul3A_583, %mul3A_584 : vector<16x1xf32>
      %add3A_586 = vector.broadcast %mul3A_585 : vector<16x1xf32> to vector<16x512xf32>
      %add3A_587 = arith.addf %mul3A_59, %add3A_586 : vector<16x512xf32>
      %mul3A_588 = vector.broadcast %sub3A_580 : vector<16x1xf32> to vector<16x512xf32>
      %mul3A_589 = arith.mulf %mul3A_588, %mul3A_61 : vector<16x512xf32>
      %add3A_590 = arith.addf %add3A_587, %mul3A_589 : vector<16x512xf32>
      %neg3A_591 = arith.constant 0.000000e+00 : f32
      %neg3A_592 = vector.broadcast %neg3A_591 : f32 to vector<16x512xf32>
      %neg3A_593 = arith.subf %neg3A_592, %add3A_590 : vector<16x512xf32>
      %exp3A_594 = math.exp %neg3A_593 : vector<16x512xf32>
      %jit3A_595 = arith.constant 0.000000e+00 : f32
      %broadcast_in_dim3A_596 = vector.shape_cast %lt3A_42 : vector<16x1xi1> to vector<16x1xi1>
      %broadcast_in_dim3A_597 = vector.broadcast %broadcast_in_dim3A_596 : vector<16x1xi1> to vector<16x512xi1>
      %broadcast_in_dim3A_598 = vector.broadcast %jit3A_595 : f32 to vector<16x512xf32>
      %select_n3A_599 = arith.select %broadcast_in_dim3A_597, %exp3A_594, %broadcast_in_dim3A_598 : vector<16x512xi1>, vector<16x512xf32>
      %dot_general3A_600 = arith.constant dense<0.000000e+00> : vector<3x512xf32>
      %dot_general3A_601 = tpu.matmul %select_n3A, %select_n3A_599, %dot_general3A_600 {dimension_numbers = #tpu.dot_dimension_numbers<[0], [0], [1], [1], [0, 1, 1, 1], [], []>, transpose_lhs_hint = false} : vector<16x3xf32>, vector<16x512xf32>, vector<3x512xf32> -> vector<3x512xf32>
      %get3A_602 = arith.constant 14 : index
      %get3A_603 = arith.constant 0 : index
      %get3A_604 = arith.constant 0 : index
      %get3A_605 = vector.load %arg6[%get3A_602, %get3A_603, %get3A_604] : memref<16x3x512xf32, #tpu.memory_space<vmem>>, vector<1x3x512xf32>
      %get3A_606 = vector.shape_cast %get3A_605 : vector<1x3x512xf32> to vector<3x512xf32>
      %add3A_607 = arith.addf %get3A_606, %dot_general3A_601 : vector<3x512xf32>
      %swap3A_608 = arith.constant 14 : index
      %swap3A_609 = arith.constant 0 : index
      %swap3A_610 = arith.constant 0 : index
      %swap3A_611 = vector.load %arg6[%swap3A_608, %swap3A_609, %swap3A_610] : memref<16x3x512xf32, #tpu.memory_space<vmem>>, vector<1x3x512xf32>
      %swap3A_612 = vector.shape_cast %swap3A_611 : vector<1x3x512xf32> to vector<3x512xf32>
      %swap3A_613 = vector.shape_cast %add3A_607 : vector<3x512xf32> to vector<1x3x512xf32>
      tpu.vector_store %arg6[%swap3A_608, %swap3A_609, %swap3A_610], %swap3A_613 {strides = array<i32>} : memref<16x3x512xf32, #tpu.memory_space<vmem>>, vector<1x3x512xf32>,
      %add3A_614 = arith.constant 1.550000e+01 : f32
      %add3A_615 = arith.addf %convert_element_type3A_15, %add3A_614 : f32
      %sub3A_616 = vector.broadcast %add3A_615 : f32 to vector<16x1xf32>
      %sub3A_617 = arith.subf %sub3A_616, %slice3A_43 : vector<16x1xf32>
      %mul3A_618 = arith.constant 5.000000e-01 : f32
      %mul3A_619 = vector.broadcast %mul3A_618 : f32 to vector<16x1xf32>
      %mul3A_620 = arith.mulf %mul3A_619, %slice3A_46 : vector<16x1xf32>
      %mul3A_621 = arith.mulf %sub3A_617, %sub3A_617 : vector<16x1xf32>
      %mul3A_622 = arith.mulf %mul3A_620, %mul3A_621 : vector<16x1xf32>
      %add3A_623 = vector.broadcast %mul3A_622 : vector<16x1xf32> to vector<16x512xf32>
      %add3A_624 = arith.addf %mul3A_59, %add3A_623 : vector<16x512xf32>
      %mul3A_625 = vector.broadcast %sub3A_617 : vector<16x1xf32> to vector<16x512xf32>
      %mul3A_626 = arith.mulf %mul3A_625, %mul3A_61 : vector<16x512xf32>
      %add3A_627 = arith.addf %add3A_624, %mul3A_626 : vector<16x512xf32>
      %neg3A_628 = arith.constant 0.000000e+00 : f32
      %neg3A_629 = vector.broadcast %neg3A_628 : f32 to vector<16x512xf32>
      %neg3A_630 = arith.subf %neg3A_629, %add3A_627 : vector<16x512xf32>
      %exp3A_631 = math.exp %neg3A_630 : vector<16x512xf32>
      %jit3A_632 = arith.constant 0.000000e+00 : f32
      %broadcast_in_dim3A_633 = vector.shape_cast %lt3A_42 : vector<16x1xi1> to vector<16x1xi1>
      %broadcast_in_dim3A_634 = vector.broadcast %broadcast_in_dim3A_633 : vector<16x1xi1> to vector<16x512xi1>
      %broadcast_in_dim3A_635 = vector.broadcast %jit3A_632 : f32 to vector<16x512xf32>
      %select_n3A_636 = arith.select %broadcast_in_dim3A_634, %exp3A_631, %broadcast_in_dim3A_635 : vector<16x512xi1>, vector<16x512xf32>
      %dot_general3A_637 = arith.constant dense<0.000000e+00> : vector<3x512xf32>
      %dot_general3A_638 = tpu.matmul %select_n3A, %select_n3A_636, %dot_general3A_637 {dimension_numbers = #tpu.dot_dimension_numbers<[0], [0], [1], [1], [0, 1, 1, 1], [], []>, transpose_lhs_hint = false} : vector<16x3xf32>, vector<16x512xf32>, vector<3x512xf32> -> vector<3x512xf32>
      %get3A_639 = arith.constant 15 : index
      %get3A_640 = arith.constant 0 : index
      %get3A_641 = arith.constant 0 : index
      %get3A_642 = vector.load %arg6[%get3A_639, %get3A_640, %get3A_641] : memref<16x3x512xf32, #tpu.memory_space<vmem>>, vector<1x3x512xf32>
      %get3A_643 = vector.shape_cast %get3A_642 : vector<1x3x512xf32> to vector<3x512xf32>
      %add3A_644 = arith.addf %get3A_643, %dot_general3A_638 : vector<3x512xf32>
      %swap3A_645 = arith.constant 15 : index
      %swap3A_646 = arith.constant 0 : index
      %swap3A_647 = arith.constant 0 : index
      %swap3A_648 = vector.load %arg6[%swap3A_645, %swap3A_646, %swap3A_647] : memref<16x3x512xf32, #tpu.memory_space<vmem>>, vector<1x3x512xf32>
      %swap3A_649 = vector.shape_cast %swap3A_648 : vector<1x3x512xf32> to vector<3x512xf32>
      %swap3A_650 = vector.shape_cast %add3A_644 : vector<3x512xf32> to vector<1x3x512xf32>
      tpu.vector_store %arg6[%swap3A_645, %swap3A_646, %swap3A_647], %swap3A_650 {strides = array<i32>} : memref<16x3x512xf32, #tpu.memory_space<vmem>>, vector<1x3x512xf32>,
    }
    return
  }
  func.func @transform_0(%arg0: i32, %arg1: i32, %arg2: memref<32xi32, #tpu.memory_space<smem>>, %arg3: memref<32xi32, #tpu.memory_space<smem>>, %arg4: memref<32xi32, #tpu.memory_space<smem>>) -> (i32, i32) {
    %c0_i32 = arith.constant 0 : i32
    %c0_i32_0 = arith.constant 0 : i32
    %c0_i32_1 = arith.constant 0 : i32
    return %c0_i32, %c0_i32_0 : i32, i32
  }
  func.func @transform_1(%arg0: i32, %arg1: i32, %arg2: memref<32xi32, #tpu.memory_space<smem>>, %arg3: memref<32xi32, #tpu.memory_space<smem>>, %arg4: memref<32xi32, #tpu.memory_space<smem>>) -> (i32, i32, i32) {
    %c0_i32 = arith.constant 0 : i32
    %c0_i32_0 = arith.constant 0 : i32
    return %arg0, %c0_i32, %arg1 : i32, i32, i32
  }
}

</mosaic_0001>

<sc_bundles>
// kernel: kernel.4.cloned.1.call-start
scs
__scs_entry_jumppad:
0x0: {  	(pc) =	sbr.rel $0x88, $3  }
0x1: {  	(tag) =	ssettag $0x0;
	lr =	simm.s32 $0x1  }
0x2: {  	[smem:$0x3FA0] =	sst lr;
	_ =	strace $0xD0000000  }
0x3: {  	_ = 	snop  }
0x4: {  	_ = 	snop  }
0x5: {  	_ = 	snop  }
0x6: {  	_ = 	snop  }
0x7: {  	_ = 	snop  }
__scs_overlays_trampoline_lowered:
0x8: {  	[smem:$0x3FAF] =	sst s0  }
0x9: {  	[smem:$0x3FB0] =	sst s1  }
0xa: {  	[smem:$0x3FB1] =	sst s2  }
0xb: {  	[smem:$0x3FB2] =	sst s3  }
0xc: {  	[smem:$0x3FB3] =	sst s4  }
0xd: {  	[smem:$0x3FB4] =	sst s5  }
0xe: {  	[smem:$0x3FB5] =	sst s6  }
0xf: {  	[smem:$0x3FB6] =	sst s7  }
0x10: {  	[smem:$0x3FB7] =	sst s8  }
0x11: {  	[smem:$0x3FB8] =	sst s9;
	s0 =	simm.s32 @!p0 $0x0  }
0x12: {  	s1 =	sld [smem:$0x3F9E];
	s0 =	simm.s32 @p0 $0x1  }
0x13: {  	[smem:$0x3FB9] =	sst s0;
	s0 =	simm.s32 @!p1 $0x0  }
0x14: {  	s2 =	sld [smem:$0x3F9D];
	s0 =	simm.s32 @p1 $0x1  }
0x15: {  	[smem:$0x3FBA] =	sst s0;
	s0 =	simm.s32 @!p2 $0x0  }
0x16: {  	s3 =	sld [smem:$0x3FDB];
	s0 =	simm.s32 @p2 $0x1  }
0x17: {  	s4 =	simm.s32 $0x1BF5;
	[smem:$0x3FBC] =	sst s0  }
0x18: {  	s0 =	sld [smem:$0x3F9F];
	_ =	swait.ge [sflag:s4], $0x0  }
0x19: {  	s7 =	sld [smem:$0x3FA0]  }
0x1a: {  	s8 =	sadd.s32 $0xFFFFE003, lr  }
0x1b: {  	s9 =	sadd.s32 $0xFFFFFEF7, lr;
	s5 =	simm.s32 $0xFFFFFFFF;
	p2 =	slt.u32 s8, $0xFFFFF086  }
0x1c: {  	p1 =	slt.u32 s9, $0xF7A;
	s5 =	simm.s32 @!p2 $0x0  }
0x1d: {  	s5 =	simm.s32 @p1 $0x1;
	p0 =	seq.s32 s7, s2  }
0x1e: {  	s7 =	smul.u32 @!p0 $0xF7A, s2;
	p2 =	seq.s32 @!p0 s5, $0x0  }
0x1f: {  	s9 =	smul.u32 $0xF7A, s1;
	s8 =	simm.s32 @!p0 $0x1BF5;
	p2 =	por !p2, p0  }
0x20: {  	[sflag:s8] =	ssyncset.s32 @!p0 $0xFFFFF086;
	s6 =	sadd.s32 @!p0 s3, s7;
	s7 =	simm.s32 @!p0 $0x108  }
0x21: {  	s3 =	sadd.s32 s3, s9;
	s6 =	sadd.s32 @!p0 $0x88, s6;
	s7 =	simm.s32 @p2 $0x1082  }
0x22: {  	[simem:s7], [sflag:s8] =	dma.local @!p0 [hbm:s6], $0xF7A  }
0x23: {  	s9 =	sor.u32 $0xD0000000, s2;
	s6 =	simm.s32 $0x108;
	_ =	swait.ge @!p0 [sflag:s8], $0x0  }
0x24: {  	s3 =	sadd.s32 $0x88, s3;
	s6 =	simm.s32 @!p1 $0x1082;
	[sflag:s4] =	ssyncset.s32 $0xFFFFF086  }
0x25: {  	[simem:s6], [sflag:s4] =	dma.local [hbm:s3], $0xF7A  }
0x26: {  	[smem:$0x3FA0] =	sst s1;
	(tag) =	ssettag s2;
	_ =	strace s9  }
0x27: {  	s1 =	sld [smem:$0x3FB0]  }
0x28: {  	s2 =	sld [smem:$0x3FB1]  }
0x29: {  	s4 =	sld [smem:$0x3FB3]  }
0x2a: {  	p0 =	seq.s32 s5, $0x0;
	s5 =	sld [smem:$0x3FB4]  }
0x2b: {  	s6 =	sld [smem:$0x3FB5]  }
0x2c: {  	s7 =	sld [smem:$0x3FB6]  }
0x2d: {  	s3 =	simm.s32 $0x108;
	s8 =	sld [smem:$0x3FB7]  }
0x2e: {  	s3 =	simm.s32 @!p0 $0x1082;
	s9 =	sld [smem:$0x3FB8]  }
0x2f: {  	lr =	sadd.s32 s0, s3;
	s0 =	sld [smem:$0x3FAF]  }
0x30: {  	s3 =	sld [smem:$0x3FB2]  }
0x31: {  	[smem:$0x3FBB] =	sst s10  }
0x32: {  	s10 =	sld [smem:$0x3FB9];
	_ =	sdelay $0x3  }
0x33: {  	p0 =	seq.s32 s10, $0x1;
	s10 =	sld [smem:$0x3FBB];
	_ =	sdelay $0x3  }
0x34: {  	[smem:$0x3FBB] =	sst s10  }
0x35: {  	s10 =	sld [smem:$0x3FBA];
	_ =	sdelay $0x3  }
0x36: {  	p1 =	seq.s32 s10, $0x1;
	s10 =	sld [smem:$0x3FBB];
	_ =	sdelay $0x3  }
0x37: {  	[smem:$0x3FBB] =	sst s10  }
0x38: {  	s10 =	sld [smem:$0x3FBC]  }
0x39: {  	_ = 	snop;
	(pc) =	sbr.ind lr, $3  }
0x3a: {  	_ = 	snop  }
0x3b: {  	_ = 	snop  }
0x3c: {  	p2 =	seq.s32 s10, $0x1;
	s10 =	sld [smem:$0x3FBB]  }
0x3d: {  	_ =	shalt  }
0x3e: {  	_ =	shalt  }
0x3f: {  	_ =	shalt  }
0x40: {  	_ =	shalt  }
0x41: {  	_ =	shalt  }
0x42: {  	_ =	shalt  }
0x43: {  	_ =	shalt  }
0x44: {  	_ =	shalt  }
0x45: {  	_ =	shalt  }
0x46: {  	_ =	shalt  }
0x47: {  	_ =	shalt  }
0x48: {  	_ =	shalt  }
0x49: {  	_ =	shalt  }
0x4a: {  	_ =	shalt  }
0x4b: {  	_ =	shalt  }
0x4c: {  	_ =	shalt  }
0x4d: {  	_ =	shalt  }
0x4e: {  	_ =	shalt  }
0x4f: {  	_ =	shalt  }
0x50: {  	_ =	shalt  }
0x51: {  	_ =	shalt  }
0x52: {  	_ =	shalt  }
0x53: {  	_ =	shalt  }
0x54: {  	_ =	shalt  }
0x55: {  	_ =	shalt  }
0x56: {  	_ =	shalt  }
0x57: {  	_ =	shalt  }
0x58: {  	_ =	shalt  }
0x59: {  	_ =	shalt  }
0x5a: {  	_ =	shalt  }
0x5b: {  	_ =	shalt  }
0x5c: {  	_ =	shalt  }
0x5d: {  	_ =	shalt  }
0x5e: {  	_ =	shalt  }
0x5f: {  	_ =	shalt  }
0x60: {  	_ =	shalt  }
0x61: {  	_ =	shalt  }
0x62: {  	_ =	shalt  }
0x63: {  	_ =	shalt  }
0x64: {  	_ =	shalt  }
0x65: {  	_ =	shalt  }
0x66: {  	_ =	shalt  }
0x67: {  	_ =	shalt  }
0x68: {  	_ =	shalt  }
0x69: {  	_ =	shalt  }
0x6a: {  	_ =	shalt  }
0x6b: {  	_ =	shalt  }
0x6c: {  	_ =	shalt  }
0x6d: {  	_ =	shalt  }
0x6e: {  	_ =	shalt  }
0x6f: {  	_ =	shalt  }
0x70: {  	_ =	shalt  }
0x71: {  	_ =	shalt  }
0x72: {  	_ =	shalt  }
0x73: {  	_ =	shalt  }
0x74: {  	_ =	shalt  }
0x75: {  	_ =	shalt  }
0x76: {  	_ =	shalt  }
0x77: {  	_ =	shalt  }
0x78: {  	_ =	shalt  }
0x79: {  	_ =	shalt  }
0x7a: {  	_ =	shalt  }
0x7b: {  	_ =	shalt  }
0x7c: {  	_ =	shalt  }
0x7d: {  	_ =	shalt  }
0x7e: {  	_ =	shalt  }
0x7f: {  	_ =	shalt  }
0x80: {  	_ =	shalt  }
0x81: {  	_ =	shalt  }
0x82: {  	_ =	shalt  }
0x83: {  	_ =	shalt  }
0x84: {  	_ =	shalt  }
0x85: {  	_ =	shalt  }
0x86: {  	_ =	shalt  }
0x87: {  	_ =	shalt  }
.Lfunc_end0:
.L_simem_size_0:
called_computation_lowered:
.L_overlay_start_0:
0x88: {  	s2 =	sld [smem:$0x3FD9]  }
0x89: {  	s3 =	sld [smem:$0x3FFE];
	_ =	sdelay $0x1  }
0x8a: {  	s1 =	srdreg.scid  }
0x8b: {  	s0 =	sand.u32 $0x1, s1  }
0x8c: {  	s17 =	sshll.u32 s0, $0xA;
	s2 =	sadd.s32 s3, s2  }
0x8d: {  	s2 =	sadd.s32 s2, s17  }
0x8e: {  	[smem:$0x3FC7] =	sst s2  }
0x8f: {  	_ = 	snop  }
0x90: {  	s2 =	sld [smem:$0x3FD0];
	(tm) =	ssettm $0x1  }
0x91: {  	s18 =	sld [smem:$0x3FFB];
	_ =	sdelay $0x3  }
0x92: {  	_ =	strace s18  }
0x93: {  	s3 =	sld [smem:$0x3FFC];
	_ =	sdelay $0x3  }
0x94: {  	_ =	strace s3  }
0x95: {  	s3 =	sld [smem:$0x3FFD];
	_ =	sdelay $0x3  }
0x96: {  	_ =	strace s3  }
0x97: {  	_ =	strace $0x8FFFFFFF  }
0x98: {  	s19 =	sld [smem:$0x3FDB];
	_ =	sdelay $0x1  }
0x99: {  	s4 =	simm.s32 $_scs_section_size  }
0x9a: {  	s5 =	simm.s32 $_size__tile_overlayer_lowered;
	s6 =	simm.s32 $_tile_overlayer_lowered  }
0x9b: {  	s22 =	simm.s32 $0x1BFF;
	s21 =	sshll.u32 s6, $0x1;
	s3 =	sadd.s32 s4, s19  }
0x9c: {  	s7 =	simm.s32 $0x0;
	s20 =	sshll.u32 s5, $0x1;
	s5 =	sadd.s32 s21, s3  }
0x9d: {  	[timem:s7], [sflag:s22] =	dma.local [hbm:s5], s20  }
0x9e: {  	_ =	swait.ge [sflag:s22], s20  }
0x9f: {  	s4 =	ssub.s32 $0x0, s20;
	[sflag:s22] =	ssyncset.done $0x0  }
0xa0: {  	[sflag:s22] =	ssyncadd.s32 s4;
	_ =	sdelay $0x1  }
0xa1: {  	s23 =	simm.s32 $0x1B8B  }
0xa2: {  	_ =	swait.ge [sflag:s23], $0x1  }
0xa3: {  	[sflag:s23] =	ssyncset.done $0x0  }
0xa4: {  	s25 =	simm.s32 $0x1B8E;
	s24 =	sld [smem:$0x3FFE];
	[sflag:s23] =	ssyncadd.s32 $0xFFFFFFFF  }
0xa5: {  	s26 =	simm.s32 $execute0_lowered;
	[smem:$0x3FD2] =	sst s25  }
0xa6: {  	s5 =	sshll.u32 s26, $0x1;
	_ =	strace $0x80000046;
	[dreg:$0x1] =	wrdreg $0xFFFFFFFF  }
0xa7: {  	s28 =	simm.s32 $_size_execute0_lowered;
	s3 =	sadd.s32 s3, s5;
	[dreg:$0x0] =	wrdreg $0x0  }
0xa8: {  	s5 =	sshll.u32 s28, $0x1;
	[dreg:$0x2] =	wrdreg s3  }
0xa9: {  	[dreg:$0x3] =	wrdreg s5  }
0xaa: {  	[dreg:$0x4] =	wrdreg $0xC0  }
0xab: {  	_ =	task [dreg:s7], $0x5FFFF  }
0xac: {  	[dreg:$0x1] =	wrdreg $0xFFFFFFFF  }
0xad: {  	[dreg:$0x0] =	wrdreg $0x60  }
0xae: {  	[dreg:$0x2] =	wrdreg s24  }
0xaf: {  	[dreg:$0x3] =	wrdreg s2  }
0xb0: {  	[dreg:$0x4] =	wrdreg $0x9  }
0xb1: {  	_ =	task.clear_ibuf [dreg:s7], $0x5FFFF;
	_ =	strace $0x90000046  }
0xb2: {  	s29 =	simm.s32 $0x9;
	_ =	strace $0x80000048  }
0xb3: {  	_ =	swait.ge [sflag:s29], $0x1  }
0xb4: {  	[sflag:s29] =	ssyncadd.s32 $0xFFFFFFFF  }
0xb5: {  	_ =	strace $0x90000048  }
0xb6: {  	_ =	sfence  }
0xb7: {  	s30 =	sld [smem:$0x0];
	_ =	sdelay $0x2  }
0xb8: {  	s31 =	sshll.u32 s1, $0xD;
	s1 =	sshrl.u32 s1, $0x2  }
0xb9: {  	s3 =	sand.u32 $0x4000, s31;
	s1 =	sadd.s32 s1, s30  }
0xba: {  	s0 =	sor.u32 s3, s0;
	s1 =	sshll.u32 s1, $0x11  }
0xbb: {  	s0 =	sor.u32 s1, s0  }
0xbc: {  	s0 =	sadd.s32 $0x8F2B, s0  }
0xbd: {  	[sflag:s0] =	ssyncadd.remote.s32 $0x1  }
0xbe: {  	_ =	sfence.sel $0xFFFF  }
0xbf: {  	[dreg:$0x0] =	wrdreg $0xFFFFFFFF;
	(pc) =	sbr.abs _section_cstart, $3  }
0xc0: {  	[dreg:$0x1] =	wrdreg $0xFFFFFFFF  }
0xc1: {  	_ =	task.clear_ibuf [dreg:s7], $0x2FFFF;
	_ =	strace $0x9FFFFFFF  }
0xc2: {  	(tm) =	ssettm $0x7FFFFFFF  }
0xc3: {  	_ =	shalt  }
tec
execute0_lowered:
.L_overlay_start_1:
0x0: {  	(tag) =	ssettag $0x1  }
0x1: {  	s1 =	srdreg.scid;
	s0 =	stileid.u32  }
0x2: {  	s8 =	sand.u32 $0x1, s1;
	s31 =	sshll.u32 s0, $0x1  }
0x3: {  	s4 =	sor.u32 s8, s31  }
0x4: {  	s11 =	rddreg [dreg:$0x0];
	s4 =	smul.u32 $0x18, s4  }
0x5: {  	s2 =	rddreg [dreg:$0x1];
	s3 =	simm.s32 $0x0;
	s6 =	simm.s32 $0x100  }
0x6: {  	s7 =	simm.s32 $0x2;
	[smem:$0x7FF] =	sst s3;
	s4 =	sadd.s32 s11, s4  }
0x7: {  	s1 =	rddreg [dreg:$0x2];
	_ =	strace $0x80000047;
	s5 =	sadd.s32 $0x4000, s4  }
0x8: {  	[tilespmem:s6], [sflag:$0x2] =	stream.linear.gather [hbm4b:s5+s3], $0xC0, $0x38;
	[tilespmem:$0x6200] =	vst v63  }
0x9: {  	_ =	swait.ge [sflag:s7], $0xC0  }
0xa: {  	[sflag:s7] =	ssyncset.done $0x0  }
0xb: {  	s12 =	ssub.s32 $0x2, s8;
	[sflag:s7] =	ssyncadd.s32 $0xFFFFFF40  }
0xc: {  	[tilespmem:s3], [sflag:$0x2] =	stream.linear.gather [hbm4b:s4+s3], $0xC0, $0x38;
	[tilespmem:$0x6200] =	vst v63  }
0xd: {  	s10 =	simm.s32 $0x200;
	s13 =	sshrl.u32 s12, $0x1;
	_ =	swait.ge [sflag:s7], $0xC0  }
0xe: {  	s9 =	simm.s32 $0x1;
	s12 =	ssub.s32 s12, s13;
	[sflag:s7] =	ssyncset.done $0x0  }
0xf: {  	s8 =	simm.s32 $0xC0;
	s12 =	smax.u32 s12, $0x1;
	[sflag:s7] =	ssyncadd.s32 $0xFFFFFF40  }
0x10: {  	[tilespmem:s10], [sflag:$0x1] =	stream.indirect.gather [hbm4b:s2+s8], $0x80, s6, s8, $0xb8;
	[tilespmem:$0x6200] =	vst v63  }
0x11: {  	p0 =	sne.s32 s12, $0x1;
	_ =	swait.ge [sflag:s9], $0x6000  }
.Ltmp0:
0x12: {  	[sflag:s9] =	ssyncset.done $0x0;
	(pc) =	sbr.rel @!p0 .LBB2_2-.Ltmp0, $4  }
0x13: {  	s11 =	sadd.s32 $0x4400, s11;
	[sflag:s9] =	ssyncadd.s32 $0xFFFFA000  }
0x14: {  	[hbm4b:s11+s8] =	stream.indirect.scatter [tilespmem:s10], [sflag:$0x1], $0x80, s3, s8, $0xb8;
	[tilespmem:$0x6200] =	vst v63  }
0x15: {  	_ =	swait.ge [sflag:s9], $0x6000  }
0x16: {  	s12 =	sadd.s32 $0xFFFFFFFF, s12;
	[sflag:s9] =	ssyncset.done $0x0  }
.LBB2_1:
0x17: {  	p0 =	sne.s32 s12, $0x1;
	s12 =	sadd.s32 $0xFFFFFFFF, s12;
	[sflag:s9] =	ssyncadd.s32 $0xFFFFA000  }
0x18: {  	[tilespmem:s6], [sflag:$0x2] =	stream.linear.gather [hbm4b:s5+s3], $0xC0, $0x38;
	[tilespmem:$0x6200] =	vst v63  }
0x19: {  	_ =	swait.ge [sflag:s7], $0xC0  }
0x1a: {  	[sflag:s7] =	ssyncset.done $0x0  }
0x1b: {  	[sflag:s7] =	ssyncadd.s32 $0xFFFFFF40  }
0x1c: {  	[tilespmem:s3], [sflag:$0x2] =	stream.linear.gather [hbm4b:s4+s3], $0xC0, $0x38;
	[tilespmem:$0x6200] =	vst v63  }
0x1d: {  	_ =	swait.ge [sflag:s7], $0xC0  }
0x1e: {  	[sflag:s7] =	ssyncset.done $0x0  }
0x1f: {  	[sflag:s7] =	ssyncadd.s32 $0xFFFFFF40  }
0x20: {  	[tilespmem:s10], [sflag:$0x1] =	stream.indirect.gather [hbm4b:s2+s8], $0x80, s6, s8, $0xb8;
	[tilespmem:$0x6200] =	vst v63  }
0x21: {  	_ =	swait.ge [sflag:s9], $0x6000  }
.Ltmp1:
0x22: {  	[sflag:s9] =	ssyncset.done $0x0;
	(pc) =	sbr.rel @p0 .LBB2_1-.Ltmp1, $4  }
0x23: {  	[sflag:s9] =	ssyncadd.s32 $0xFFFFA000  }
0x24: {  	[hbm4b:s11+s8] =	stream.indirect.scatter [tilespmem:s10], [sflag:$0x1], $0x80, s3, s8, $0xb8;
	[tilespmem:$0x6200] =	vst v63  }
0x25: {  	_ =	swait.ge [sflag:s9], $0x6000  }
0x26: {  	[sflag:s9] =	ssyncset.done $0x0  }
.LBB2_2:
0x27: {  	[sflag:s9] =	ssyncadd.s32 $0xFFFFA000  }
0x28: {  	_ =	sfence.sel $0x180000  }
0x29: {  	[bflag:$0x0] =	sbarrier.arrive $0xFFFF  }
0x2a: {  	p0 =	sne.s32 s0, $0x0;
	_ =	strace $0x90000047  }
0x2b: {  	s0 =	sadd.s32 @!p0 $0x100000, s1;
	[bflag:$0x2] =	sbarrier.arrive $0xFFFF  }
0x2c: {  	[sflag:s0] =	ssyncadd.tile.s32 @!p0 $0x1;
	_ =	shalt  }
.Lfunc_end2:
_tile_overlayer_lowered:
.L_overlay_start_2:
0x2d: {  	(tag) =	ssettag $0x2  }
0x2e: {  	s0 =	rddreg [dreg:$0x0];
	s2 =	stileid.u32  }
0x2f: {  	s1 =	rddreg [dreg:$0x1];
	p0 =	sne.s32 s2, $0x0  }
0x30: {  	s3 =	rddreg [dreg:$0x2];
	[bflag:$0x3] =	sbarrier.arrive $0xFFFF;
	s2 =	simm.s32 @!p0 $0x1C02  }
0x31: {  	[timem:s3], [sflag:s2] =	dma.local @!p0 [hbm:s0], s1  }
0x32: {  	s0 =	simm.s32 @!p0 $0x2  }
0x33: {  	_ =	swait.ge @!p0 [sflag:s0], s1  }
0x34: {  	s1 =	ssub.s32 @!p0 $0x0, s1;
	[sflag:s0] =	ssyncset.done @!p0 $0x0  }
0x35: {  	[sflag:s0] =	ssyncadd.s32 @!p0 s1  }
0x36: {  	[bflag:$0x3] =	sbarrier.arrive $0xFFFF  }
0x37: {  	_ =	shalt  }

</sc_bundles>
